<compile_context>
chip_gen: v7x
topology: tpu7x:2x2x1
jax: 0.10.2.dev20260603
libtpu: 0.0.44.dev20260713+nightly
codegen_flags: <defaults>
</compile_context>

<pallas_src>
import functools

import jax
import jax.numpy as jnp
from jax import lax
from jax.experimental import pallas as pl
from jax.experimental.pallas import tpu as pltpu
from jax.experimental.pallas import tpu_sc as plsc

N = 4096
C = 512
H = 8
D = 64
K = 16

RB = 256
PB = 128

_NC = 2
_NS = 16
_NW = _NC * _NS


def _proj_body(f_ref, wq_ref, wk_ref, wv_ref, q_ref, k_ref, v_ref):
    f = f_ref[...]
    dn = (((1,), (1,)), ((), ()))
    q_ref[...] = lax.dot_general(f, wq_ref[...], dn,
                                 preferred_element_type=jnp.float32)
    k_ref[...] = lax.dot_general(f, wk_ref[...], dn,
                                 preferred_element_type=jnp.float32)
    v_ref[...] = lax.dot_general(f, wv_ref[...], dn,
                                 preferred_element_type=jnp.float32)


def _proj(feats, Wq, Wk, Wv):
    nb = N // RB
    return pl.pallas_call(
        _proj_body,
        grid=(nb,),
        in_specs=[
            pl.BlockSpec((RB, C), lambda i: (i, 0)),
            pl.BlockSpec((C, C), lambda i: (0, 0)),
            pl.BlockSpec((C, C), lambda i: (0, 0)),
            pl.BlockSpec((C, C), lambda i: (0, 0)),
        ],
        out_specs=[
            pl.BlockSpec((RB, C), lambda i: (i, 0)),
            pl.BlockSpec((RB, C), lambda i: (i, 0)),
            pl.BlockSpec((RB, C), lambda i: (i, 0)),
        ],
        out_shape=[
            jax.ShapeDtypeStruct((N, C), jnp.float32),
            jax.ShapeDtypeStruct((N, C), jnp.float32),
            jax.ShapeDtypeStruct((N, C), jnp.float32),
        ],
    )(feats, Wq, Wk, Wv)


def _knn_body(cn_ref, ct_ref, idx_ref):
    cb = cn_ref[...]
    ct = ct_ref[...]
    xb = cb[:, 0:1] * cb[:, 0:1]
    yb = cb[:, 1:2] * cb[:, 1:2]
    zb = cb[:, 2:3] * cb[:, 2:3]
    sq_i = (xb + zb) + yb
    xr = ct[0:1, :] * ct[0:1, :]
    yr = ct[1:2, :] * ct[1:2, :]
    zr = ct[2:3, :] * ct[2:3, :]
    sq_j = (xr + zr) + yr
    g = jnp.dot(cb, ct, preferred_element_type=jnp.float32)
    dist = (sq_i + sq_j) - g * 2.0
    lane = lax.broadcasted_iota(jnp.int32, (RB, N), 1)
    cols = []
    for _ in range(K):
        m = jnp.min(dist, axis=1, keepdims=True)
        cand = jnp.where(dist == m, lane, N)
        sel = jnp.min(cand, axis=1, keepdims=True)
        cols.append(sel)
        dist = jnp.where(lane == sel, jnp.float32(jnp.inf), dist)
    idx_ref[...] = jnp.concatenate(cols, axis=1)


def _knn_half(coords_nat, coords_t, half):
    nb = N // RB // 2
    off = half * nb
    return pl.pallas_call(
        _knn_body,
        grid=(nb,),
        in_specs=[
            pl.BlockSpec((RB, 8), lambda i: (i + off, 0)),
            pl.BlockSpec((8, N), lambda i: (0, 0)),
        ],
        out_specs=pl.BlockSpec((RB, K), lambda i: (i, 0)),
        out_shape=jax.ShapeDtypeStruct((N // 2, K), jnp.int32),
    )(coords_nat, coords_t)


def _sc_gather(table_k, table_v, idx):
    B = idx.shape[0]
    bpw = B // _NW
    ch = 64
    nch = bpw // ch
    mesh = plsc.VectorSubcoreMesh(core_axis_name="c", subcore_axis_name="s")

    @functools.partial(
        pl.kernel,
        out_type=(jax.ShapeDtypeStruct((B, C), jnp.float32),
                  jax.ShapeDtypeStruct((B, C), jnp.float32)),
        mesh=mesh,
        scratch_types=[
            pltpu.VMEM((bpw,), jnp.int32),
            pltpu.VMEM((ch, C), jnp.float32),
            pltpu.VMEM((ch, C), jnp.float32),
            pltpu.SemaphoreType.DMA,
            pltpu.SemaphoreType.DMA,
        ],
    )
    def gather_kernel(tk_hbm, tv_hbm, idx_hbm, ok_hbm, ov_hbm,
                      idx_v, rk_v, rv_v, sem_k, sem_v):
        wid = lax.axis_index("s") * _NC + lax.axis_index("c")
        base = wid * bpw
        pltpu.sync_copy(idx_hbm.at[pl.ds(base, bpw)], idx_v)

        @pl.loop(0, nch)
        def _(c):
            row0 = base + c * ch
            ick = idx_v.at[pl.ds(c * ch, ch)]
            cp_k = pltpu.async_copy(tk_hbm.at[ick], rk_v, sem_k)
            cp_v = pltpu.async_copy(tv_hbm.at[ick], rv_v, sem_v)
            cp_k.wait()
            cp_v.wait()
            pltpu.sync_copy(rk_v, ok_hbm.at[pl.ds(row0, ch)])
            pltpu.sync_copy(rv_v, ov_hbm.at[pl.ds(row0, ch)])

    return gather_kernel(table_k, table_v, idx)


def _attn_body(q_ref, kn_ref, vn_ref, wo_ref, bo_ref, o_ref):
    seg = (lax.broadcasted_iota(jnp.int32, (C, H), 0) // D ==
           lax.broadcasted_iota(jnp.int32, (C, H), 1)).astype(jnp.float32)
    q = q_ref[...]
    kn = kn_ref[...].reshape(PB, K, C)
    prod = (q[:, None, :] * kn).reshape(PB * K, C)
    ph = prod.astype(jnp.bfloat16).astype(jnp.float32)
    plo = prod - ph
    s = (jnp.dot(ph, seg, preferred_element_type=jnp.float32) +
         jnp.dot(plo, seg, preferred_element_type=jnp.float32)) / 8.0
    s3 = s.reshape(PB, K, H)
    m = jnp.max(s3, axis=1, keepdims=True)
    e = jnp.exp(s3 - m)
    den = jnp.sum(e, axis=1, keepdims=True)
    w = (e / den).reshape(PB * K, H)
    wh = w.astype(jnp.bfloat16).astype(jnp.float32)
    wlo = w - wh
    dnt = (((1,), (1,)), ((), ()))
    wexp = (lax.dot_general(wh, seg, dnt,
                            preferred_element_type=jnp.float32) +
            lax.dot_general(wlo, seg, dnt,
                            preferred_element_type=jnp.float32))
    vn = vn_ref[...]
    comb = (wexp * vn).reshape(PB, K, C).sum(axis=1)
    out = lax.dot_general(comb, wo_ref[...], (((1,), (1,)), ((), ())),
                          preferred_element_type=jnp.float32)
    o_ref[...] = out + bo_ref[...]


def _attend(q, kn, vn, Wo, bo2, half):
    nb = N // PB // 2
    qoff = half * nb
    return pl.pallas_call(
        _attn_body,
        grid=(nb,),
        in_specs=[
            pl.BlockSpec((PB, C), lambda i: (i + qoff, 0)),
            pl.BlockSpec((PB * K, C), lambda i: (i, 0)),
            pl.BlockSpec((PB * K, C), lambda i: (i, 0)),
            pl.BlockSpec((C, C), lambda i: (0, 0)),
            pl.BlockSpec((1, C), lambda i: (0, 0)),
        ],
        out_specs=pl.BlockSpec((PB, C), lambda i: (i, 0)),
        out_shape=jax.ShapeDtypeStruct((N // 2, C), jnp.float32),
    )(q, kn, vn, Wo, bo2)


def kernel(feats, coords, Wq, Wk, Wv, Wo, bo):
    coords_nat = jnp.pad(coords, ((0, 0), (0, 5)))
    coords_t = coords_nat.T
    bo2 = bo.reshape(1, C)
    q, kf, vf = _proj(feats, Wq, Wk, Wv)
    idx0 = _knn_half(coords_nat, coords_t, 0).reshape(-1)
    kn0, vn0 = _sc_gather(kf, vf, idx0)
    idx1 = _knn_half(coords_nat, coords_t, 1).reshape(-1)
    kn1, vn1 = _sc_gather(kf, vf, idx1)
    out0 = _attend(q, kn0, vn0, Wo, bo2, 0)
    out1 = _attend(q, kn1, vn1, Wo, bo2, 1)
    return jnp.concatenate([out0, out1], axis=0)

# --- scband reference (transcript-rebuilt; emitter-appended) ---
"""Pipeline reference for scband-multi-head-local-attention-46737834115410 (READ-ONLY COPY).

The authoritative reference and input builder live on the scoring server;
editing this copy changes nothing except your own understanding.
"""

import jax, jax.numpy as jnp
import numpy as np

N_POINTS = 4096
IN_DIM = 512
NUM_HEADS = 8
K_NEIGHBORS = 16


def setup_inputs(seed: int = 0) -> dict:
    key = jax.random.key(seed)
    ks = jax.random.split(key, 8)
    feats = jax.random.normal(ks[0], (N_POINTS, IN_DIM), dtype=jnp.float32)
    coords = jax.random.uniform(ks[1], (N_POINTS, 3), dtype=jnp.float32)
    Wq = jax.random.normal(ks[2], (IN_DIM, IN_DIM), dtype=jnp.float32) * 0.02
    Wk = jax.random.normal(ks[3], (IN_DIM, IN_DIM), dtype=jnp.float32) * 0.02
    Wv = jax.random.normal(ks[4], (IN_DIM, IN_DIM), dtype=jnp.float32) * 0.02
    Wo = jax.random.normal(ks[5], (IN_DIM, IN_DIM), dtype=jnp.float32) * 0.02
    bo = jnp.zeros((IN_DIM,), dtype=jnp.float32)
    return {"feats": feats, "coords": coords, "Wq": Wq, "Wk": Wk, "Wv": Wv, "Wo": Wo, "bo": bo}


def reference(feats, coords, Wq, Wk, Wv, Wo, bo):
    N, C = feats.shape
    H = NUM_HEADS
    D = C // H
    k = min(K_NEIGHBORS, N)
    # brute-force exact kNN on coords (equivalent to cKDTree query, self included)
    sq = jnp.sum(coords * coords, axis=1)
    dist = sq[:, None] + sq[None, :] - 2.0 * (coords @ coords.T)
    _, knn_idx = jax.lax.top_k(-dist, k)  # [N, k]
    # projections (torch Linear: y = x @ W.T)
    q = (feats @ Wq.T).reshape(N, H, D)
    k_feat = (feats @ Wk.T).reshape(N, H, D)
    v = (feats @ Wv.T).reshape(N, H, D)
    # gather neighbor keys / values: [N, k, H, D]
    k_neighbors = jnp.take(k_feat, knn_idx, axis=0)
    v_neighbors = jnp.take(v, knn_idx, axis=0)
    # attention scores: [N, k, H]
    attn_scores = jnp.sum(q[:, None, :, :] * k_neighbors, axis=-1) / (D ** 0.5)
    # softmax over neighbor axis (torch permutes to [N,H,k], softmax dim=-1, permutes back)
    attn_weights = jax.nn.softmax(attn_scores, axis=1)
    out = jnp.sum(attn_weights[..., None] * v_neighbors, axis=1).reshape(N, C)
    return out @ Wo.T + bo

if __name__ == "__main__":
    import jax
    _d = setup_inputs()
    print(jax.jit(kernel)(*tuple(_d.values())))

</pallas_src>

<mosaic_0001>
#map = affine_map<(d0, d1) -> (0, 0)>
#map1 = affine_map<(d0, d1) -> (0)>
module attributes {stable_mosaic.version = 14 : i64} {
  func.func @gather_kernel(%arg0: i32, %arg1: i32, %arg2: memref<4096x512xf32, #tpu.memory_space<hbm>>, %arg3: memref<4096x512xf32, #tpu.memory_space<hbm>>, %arg4: memref<32768xi32, #tpu.memory_space<hbm>>, %arg5: memref<32768x512xf32, #tpu.memory_space<hbm>>, %arg6: memref<32768x512xf32, #tpu.memory_space<hbm>>, %arg7: memref<1024xi32, #tpu.memory_space<vmem>>, %arg8: memref<64x512xf32, #tpu.memory_space<vmem>>, %arg9: memref<64x512xf32, #tpu.memory_space<vmem>>, %arg10: memref<!tpu.dma_semaphore, #tpu.memory_space<semaphore_mem>>, %arg11: memref<!tpu.dma_semaphore, #tpu.memory_space<semaphore_mem>>) attributes {dimension_semantics = [#tpu.dimension_semantics<core_parallel>, #tpu.dimension_semantics<subcore_parallel>], iteration_bounds = array<i64: 2, 16>, scalar_prefetch = 0 : i64, scratch_operands = 5 : i64, tpu.core_type = #tpu.core_type<sc_vector_subcore>, window_params = [{transform_indices = #map}, {transform_indices = #map}, {transform_indices = #map1}, {transform_indices = #map}, {transform_indices = #map}]} {
    %mul3A = arith.constant 2 : i32
    %mul3A_0 = arith.muli %arg1, %mul3A : i32
    %add3A = arith.addi %mul3A_0, %arg0 : i32
    %mul3A_1 = arith.constant 1024 : i32
    %mul3A_2 = arith.muli %add3A, %mul3A_1 : i32
    "tpu.region"() ({
      %run_scoped3A = tpu.sem_alloc : memref<!tpu.dma_semaphore, #tpu.memory_space<semaphore_mem>>
      %dma_start3A = tpu.memref_slice %arg4[%mul3A_2] : memref<32768xi32, #tpu.memory_space<hbm>> -> memref<1024xi32, #tpu.memory_space<hbm>>
      %dma_start3A_7 = tpu.memref_slice %arg4[%mul3A_2] : memref<32768xi32, #tpu.memory_space<hbm>> -> memref<1024xi32, #tpu.memory_space<hbm>>
      tpu.enqueue_dma source(%dma_start3A_7 : memref<1024xi32, #tpu.memory_space<hbm>>) target(%arg7 : memref<1024xi32, #tpu.memory_space<vmem>>) target_semaphore(%run_scoped3A : memref<!tpu.dma_semaphore, #tpu.memory_space<semaphore_mem>>)
      %dma_wait3A = tpu.memref_slice %arg4[%mul3A_2] : memref<32768xi32, #tpu.memory_space<hbm>> -> memref<1024xi32, #tpu.memory_space<hbm>>
      %dma_wait3A_8 = tpu.memref_slice %arg4[%mul3A_2] : memref<32768xi32, #tpu.memory_space<hbm>> -> memref<1024xi32, #tpu.memory_space<hbm>>
      tpu.wait_dma2 semaphore(%run_scoped3A : memref<!tpu.dma_semaphore, #tpu.memory_space<semaphore_mem>>) src(%dma_wait3A_8 : memref<1024xi32, #tpu.memory_space<hbm>>) dst(%arg7 : memref<1024xi32, #tpu.memory_space<vmem>>)
      tpu.yield
    }) : () -> ()
    %scan3A = arith.constant 0 : i32
    %scan3A_3 = arith.constant 16 : i32
    %scan3A_4 = arith.addi %scan3A, %scan3A_3 : i32
    %scan3A_5 = arith.constant 1 : i32
    scf.for %scan3A_7 = %scan3A to %scan3A_4 step %scan3A_5  : i32 {
      %mul3A_8 = arith.constant 1 : i32
      %mul3A_9 = arith.muli %scan3A_7, %mul3A_8 : i32
      %add3A_10 = arith.constant 0 : i32
      %add3A_11 = arith.addi %add3A_10, %mul3A_9 : i32
      %mul3A_12 = arith.constant 64 : i32
      %mul3A_13 = arith.muli %add3A_11, %mul3A_12 : i32
      %add3A_14 = arith.addi %mul3A_2, %mul3A_13 : i32
      %mul3A_15 = arith.constant 64 : i32
      %mul3A_16 = arith.muli %add3A_11, %mul3A_15 : i32
      %dma_start3A = tpu.memref_slice %arg7[%mul3A_16] : memref<1024xi32, #tpu.memory_space<vmem>> -> memref<64xi32, #tpu.memory_space<vmem>>
      %dma_start3A_17 = arith.constant 0 : i32
      %dma_start3A_18 = arith.constant 0 : i32
      %dma_start3A_19 = tpu.memref_slice %arg2[%dma_start3A_17, %dma_start3A_18] : memref<4096x512xf32, #tpu.memory_space<hbm>> -> memref<4096x512xf32, #tpu.memory_space<hbm>>
      tpu.enqueue_indirect_dma source(%dma_start3A_19 : memref<4096x512xf32, #tpu.memory_space<hbm>>) target(%arg8 : memref<64x512xf32, #tpu.memory_space<vmem>>) offsets(%dma_start3A : memref<64xi32, #tpu.memory_space<vmem>>) semaphore(%arg10 : memref<!tpu.dma_semaphore, #tpu.memory_space<semaphore_mem>>)
      %dma_start3A_20 = tpu.memref_slice %arg7[%mul3A_16] : memref<1024xi32, #tpu.memory_space<vmem>> -> memref<64xi32, #tpu.memory_space<vmem>>
      %dma_start3A_21 = arith.constant 0 : i32
      %dma_start3A_22 = arith.constant 0 : i32
      %dma_start3A_23 = tpu.memref_slice %arg3[%dma_start3A_21, %dma_start3A_22] : memref<4096x512xf32, #tpu.memory_space<hbm>> -> memref<4096x512xf32, #tpu.memory_space<hbm>>
      tpu.enqueue_indirect_dma source(%dma_start3A_23 : memref<4096x512xf32, #tpu.memory_space<hbm>>) target(%arg9 : memref<64x512xf32, #tpu.memory_space<vmem>>) offsets(%dma_start3A_20 : memref<64xi32, #tpu.memory_space<vmem>>) semaphore(%arg11 : memref<!tpu.dma_semaphore, #tpu.memory_space<semaphore_mem>>)
      %dma_wait3A = tpu.memref_slice %arg7[%mul3A_16] : memref<1024xi32, #tpu.memory_space<vmem>> -> memref<64xi32, #tpu.memory_space<vmem>>
      %dma_wait3A_24 = arith.constant 0 : i32
      %dma_wait3A_25 = arith.constant 0 : i32
      %dma_wait3A_26 = tpu.memref_slice %arg2[%dma_wait3A_24, %dma_wait3A_25] : memref<4096x512xf32, #tpu.memory_space<hbm>> -> memref<4096x512xf32, #tpu.memory_space<hbm>>
      tpu.wait_indirect_dma semaphore(%arg10 : memref<!tpu.dma_semaphore, #tpu.memory_space<semaphore_mem>>) src(%dma_wait3A_26 : memref<4096x512xf32, #tpu.memory_space<hbm>>) dst(%arg8 : memref<64x512xf32, #tpu.memory_space<vmem>>)
      %dma_wait3A_27 = tpu.memref_slice %arg7[%mul3A_16] : memref<1024xi32, #tpu.memory_space<vmem>> -> memref<64xi32, #tpu.memory_space<vmem>>
      %dma_wait3A_28 = arith.constant 0 : i32
      %dma_wait3A_29 = arith.constant 0 : i32
      %dma_wait3A_30 = tpu.memref_slice %arg3[%dma_wait3A_28, %dma_wait3A_29] : memref<4096x512xf32, #tpu.memory_space<hbm>> -> memref<4096x512xf32, #tpu.memory_space<hbm>>
      tpu.wait_indirect_dma semaphore(%arg11 : memref<!tpu.dma_semaphore, #tpu.memory_space<semaphore_mem>>) src(%dma_wait3A_30 : memref<4096x512xf32, #tpu.memory_space<hbm>>) dst(%arg9 : memref<64x512xf32, #tpu.memory_space<vmem>>)
      "tpu.region"() ({
        %run_scoped3A = tpu.sem_alloc : memref<!tpu.dma_semaphore, #tpu.memory_space<semaphore_mem>>
        %dma_start3A_31 = arith.constant 0 : i32
        %dma_start3A_32 = tpu.memref_slice %arg5[%add3A_14, %dma_start3A_31] : memref<32768x512xf32, #tpu.memory_space<hbm>> -> memref<64x512xf32, #tpu.memory_space<hbm>>
        %dma_start3A_33 = arith.constant 0 : i32
        %dma_start3A_34 = tpu.memref_slice %arg5[%add3A_14, %dma_start3A_33] : memref<32768x512xf32, #tpu.memory_space<hbm>> -> memref<64x512xf32, #tpu.memory_space<hbm>>
        tpu.enqueue_dma source(%arg8 : memref<64x512xf32, #tpu.memory_space<vmem>>) target(%dma_start3A_34 : memref<64x512xf32, #tpu.memory_space<hbm>>) target_semaphore(%run_scoped3A : memref<!tpu.dma_semaphore, #tpu.memory_space<semaphore_mem>>)
        %dma_wait3A_35 = arith.constant 0 : i32
        %dma_wait3A_36 = tpu.memref_slice %arg5[%add3A_14, %dma_wait3A_35] : memref<32768x512xf32, #tpu.memory_space<hbm>> -> memref<64x512xf32, #tpu.memory_space<hbm>>
        %dma_wait3A_37 = arith.constant 0 : i32
        %dma_wait3A_38 = tpu.memref_slice %arg5[%add3A_14, %dma_wait3A_37] : memref<32768x512xf32, #tpu.memory_space<hbm>> -> memref<64x512xf32, #tpu.memory_space<hbm>>
        tpu.wait_dma2 semaphore(%run_scoped3A : memref<!tpu.dma_semaphore, #tpu.memory_space<semaphore_mem>>) src(%arg8 : memref<64x512xf32, #tpu.memory_space<vmem>>) dst(%dma_wait3A_38 : memref<64x512xf32, #tpu.memory_space<hbm>>)
        tpu.yield
      }) : () -> ()
      "tpu.region"() ({
        %run_scoped3A = tpu.sem_alloc : memref<!tpu.dma_semaphore, #tpu.memory_space<semaphore_mem>>
        %dma_start3A_31 = arith.constant 0 : i32
        %dma_start3A_32 = tpu.memref_slice %arg6[%add3A_14, %dma_start3A_31] : memref<32768x512xf32, #tpu.memory_space<hbm>> -> memref<64x512xf32, #tpu.memory_space<hbm>>
        %dma_start3A_33 = arith.constant 0 : i32
        %dma_start3A_34 = tpu.memref_slice %arg6[%add3A_14, %dma_start3A_33] : memref<32768x512xf32, #tpu.memory_space<hbm>> -> memref<64x512xf32, #tpu.memory_space<hbm>>
        tpu.enqueue_dma source(%arg9 : memref<64x512xf32, #tpu.memory_space<vmem>>) target(%dma_start3A_34 : memref<64x512xf32, #tpu.memory_space<hbm>>) target_semaphore(%run_scoped3A : memref<!tpu.dma_semaphore, #tpu.memory_space<semaphore_mem>>)
        %dma_wait3A_35 = arith.constant 0 : i32
        %dma_wait3A_36 = tpu.memref_slice %arg6[%add3A_14, %dma_wait3A_35] : memref<32768x512xf32, #tpu.memory_space<hbm>> -> memref<64x512xf32, #tpu.memory_space<hbm>>
        %dma_wait3A_37 = arith.constant 0 : i32
        %dma_wait3A_38 = tpu.memref_slice %arg6[%add3A_14, %dma_wait3A_37] : memref<32768x512xf32, #tpu.memory_space<hbm>> -> memref<64x512xf32, #tpu.memory_space<hbm>>
        tpu.wait_dma2 semaphore(%run_scoped3A : memref<!tpu.dma_semaphore, #tpu.memory_space<semaphore_mem>>) src(%arg9 : memref<64x512xf32, #tpu.memory_space<vmem>>) dst(%dma_wait3A_38 : memref<64x512xf32, #tpu.memory_space<hbm>>)
        tpu.yield
      }) : () -> ()
    }
    %scan3A_6 = arith.constant 16 : i32
    return
  }
}

#map = affine_map<(d0, d1) -> (0, 0)>
#map1 = affine_map<(d0, d1) -> (0)>
module attributes {stable_mosaic.version = 14 : i64} {
  func.func @gather_kernel(%arg0: i32, %arg1: i32, %arg2: memref<4096x512xf32, #tpu.memory_space<hbm>>, %arg3: memref<4096x512xf32, #tpu.memory_space<hbm>>, %arg4: memref<32768xi32, #tpu.memory_space<hbm>>, %arg5: memref<32768x512xf32, #tpu.memory_space<hbm>>, %arg6: memref<32768x512xf32, #tpu.memory_space<hbm>>, %arg7: memref<1024xi32, #tpu.memory_space<vmem>>, %arg8: memref<64x512xf32, #tpu.memory_space<vmem>>, %arg9: memref<64x512xf32, #tpu.memory_space<vmem>>, %arg10: memref<!tpu.dma_semaphore, #tpu.memory_space<semaphore_mem>>, %arg11: memref<!tpu.dma_semaphore, #tpu.memory_space<semaphore_mem>>) attributes {dimension_semantics = [#tpu.dimension_semantics<core_parallel>, #tpu.dimension_semantics<subcore_parallel>], iteration_bounds = array<i64: 2, 16>, scalar_prefetch = 0 : i64, scratch_operands = 5 : i64, tpu.core_type = #tpu.core_type<sc_vector_subcore>, window_params = [{transform_indices = #map}, {transform_indices = #map}, {transform_indices = #map1}, {transform_indices = #map}, {transform_indices = #map}]} {
    %mul3A = arith.constant 2 : i32
    %mul3A_0 = arith.muli %arg1, %mul3A : i32
    %add3A = arith.addi %mul3A_0, %arg0 : i32
    %mul3A_1 = arith.constant 1024 : i32
    %mul3A_2 = arith.muli %add3A, %mul3A_1 : i32
    "tpu.region"() ({
      %run_scoped3A = tpu.sem_alloc : memref<!tpu.dma_semaphore, #tpu.memory_space<semaphore_mem>>
      %dma_start3A = tpu.memref_slice %arg4[%mul3A_2] : memref<32768xi32, #tpu.memory_space<hbm>> -> memref<1024xi32, #tpu.memory_space<hbm>>
      %dma_start3A_7 = tpu.memref_slice %arg4[%mul3A_2] : memref<32768xi32, #tpu.memory_space<hbm>> -> memref<1024xi32, #tpu.memory_space<hbm>>
      tpu.enqueue_dma source(%dma_start3A_7 : memref<1024xi32, #tpu.memory_space<hbm>>) target(%arg7 : memref<1024xi32, #tpu.memory_space<vmem>>) target_semaphore(%run_scoped3A : memref<!tpu.dma_semaphore, #tpu.memory_space<semaphore_mem>>)
      %dma_wait3A = tpu.memref_slice %arg4[%mul3A_2] : memref<32768xi32, #tpu.memory_space<hbm>> -> memref<1024xi32, #tpu.memory_space<hbm>>
      %dma_wait3A_8 = tpu.memref_slice %arg4[%mul3A_2] : memref<32768xi32, #tpu.memory_space<hbm>> -> memref<1024xi32, #tpu.memory_space<hbm>>
      tpu.wait_dma2 semaphore(%run_scoped3A : memref<!tpu.dma_semaphore, #tpu.memory_space<semaphore_mem>>) src(%dma_wait3A_8 : memref<1024xi32, #tpu.memory_space<hbm>>) dst(%arg7 : memref<1024xi32, #tpu.memory_space<vmem>>)
      tpu.yield
    }) : () -> ()
    %scan3A = arith.constant 0 : i32
    %scan3A_3 = arith.constant 16 : i32
    %scan3A_4 = arith.addi %scan3A, %scan3A_3 : i32
    %scan3A_5 = arith.constant 1 : i32
    scf.for %scan3A_7 = %scan3A to %scan3A_4 step %scan3A_5  : i32 {
      %mul3A_8 = arith.constant 1 : i32
      %mul3A_9 = arith.muli %scan3A_7, %mul3A_8 : i32
      %add3A_10 = arith.constant 0 : i32
      %add3A_11 = arith.addi %add3A_10, %mul3A_9 : i32
      %mul3A_12 = arith.constant 64 : i32
      %mul3A_13 = arith.muli %add3A_11, %mul3A_12 : i32
      %add3A_14 = arith.addi %mul3A_2, %mul3A_13 : i32
      %mul3A_15 = arith.constant 64 : i32
      %mul3A_16 = arith.muli %add3A_11, %mul3A_15 : i32
      %dma_start3A = tpu.memref_slice %arg7[%mul3A_16] : memref<1024xi32, #tpu.memory_space<vmem>> -> memref<64xi32, #tpu.memory_space<vmem>>
      %dma_start3A_17 = arith.constant 0 : i32
      %dma_start3A_18 = arith.constant 0 : i32
      %dma_start3A_19 = tpu.memref_slice %arg2[%dma_start3A_17, %dma_start3A_18] : memref<4096x512xf32, #tpu.memory_space<hbm>> -> memref<4096x512xf32, #tpu.memory_space<hbm>>
      tpu.enqueue_indirect_dma source(%dma_start3A_19 : memref<4096x512xf32, #tpu.memory_space<hbm>>) target(%arg8 : memref<64x512xf32, #tpu.memory_space<vmem>>) offsets(%dma_start3A : memref<64xi32, #tpu.memory_space<vmem>>) semaphore(%arg10 : memref<!tpu.dma_semaphore, #tpu.memory_space<semaphore_mem>>)
      %dma_start3A_20 = tpu.memref_slice %arg7[%mul3A_16] : memref<1024xi32, #tpu.memory_space<vmem>> -> memref<64xi32, #tpu.memory_space<vmem>>
      %dma_start3A_21 = arith.constant 0 : i32
      %dma_start3A_22 = arith.constant 0 : i32
      %dma_start3A_23 = tpu.memref_slice %arg3[%dma_start3A_21, %dma_start3A_22] : memref<4096x512xf32, #tpu.memory_space<hbm>> -> memref<4096x512xf32, #tpu.memory_space<hbm>>
      tpu.enqueue_indirect_dma source(%dma_start3A_23 : memref<4096x512xf32, #tpu.memory_space<hbm>>) target(%arg9 : memref<64x512xf32, #tpu.memory_space<vmem>>) offsets(%dma_start3A_20 : memref<64xi32, #tpu.memory_space<vmem>>) semaphore(%arg11 : memref<!tpu.dma_semaphore, #tpu.memory_space<semaphore_mem>>)
      %dma_wait3A = tpu.memref_slice %arg7[%mul3A_16] : memref<1024xi32, #tpu.memory_space<vmem>> -> memref<64xi32, #tpu.memory_space<vmem>>
      %dma_wait3A_24 = arith.constant 0 : i32
      %dma_wait3A_25 = arith.constant 0 : i32
      %dma_wait3A_26 = tpu.memref_slice %arg2[%dma_wait3A_24, %dma_wait3A_25] : memref<4096x512xf32, #tpu.memory_space<hbm>> -> memref<4096x512xf32, #tpu.memory_space<hbm>>
      tpu.wait_indirect_dma semaphore(%arg10 : memref<!tpu.dma_semaphore, #tpu.memory_space<semaphore_mem>>) src(%dma_wait3A_26 : memref<4096x512xf32, #tpu.memory_space<hbm>>) dst(%arg8 : memref<64x512xf32, #tpu.memory_space<vmem>>)
      %dma_wait3A_27 = tpu.memref_slice %arg7[%mul3A_16] : memref<1024xi32, #tpu.memory_space<vmem>> -> memref<64xi32, #tpu.memory_space<vmem>>
      %dma_wait3A_28 = arith.constant 0 : i32
      %dma_wait3A_29 = arith.constant 0 : i32
      %dma_wait3A_30 = tpu.memref_slice %arg3[%dma_wait3A_28, %dma_wait3A_29] : memref<4096x512xf32, #tpu.memory_space<hbm>> -> memref<4096x512xf32, #tpu.memory_space<hbm>>
      tpu.wait_indirect_dma semaphore(%arg11 : memref<!tpu.dma_semaphore, #tpu.memory_space<semaphore_mem>>) src(%dma_wait3A_30 : memref<4096x512xf32, #tpu.memory_space<hbm>>) dst(%arg9 : memref<64x512xf32, #tpu.memory_space<vmem>>)
      "tpu.region"() ({
        %run_scoped3A = tpu.sem_alloc : memref<!tpu.dma_semaphore, #tpu.memory_space<semaphore_mem>>
        %dma_start3A_31 = arith.constant 0 : i32
        %dma_start3A_32 = tpu.memref_slice %arg5[%add3A_14, %dma_start3A_31] : memref<32768x512xf32, #tpu.memory_space<hbm>> -> memref<64x512xf32, #tpu.memory_space<hbm>>
        %dma_start3A_33 = arith.constant 0 : i32
        %dma_start3A_34 = tpu.memref_slice %arg5[%add3A_14, %dma_start3A_33] : memref<32768x512xf32, #tpu.memory_space<hbm>> -> memref<64x512xf32, #tpu.memory_space<hbm>>
        tpu.enqueue_dma source(%arg8 : memref<64x512xf32, #tpu.memory_space<vmem>>) target(%dma_start3A_34 : memref<64x512xf32, #tpu.memory_space<hbm>>) target_semaphore(%run_scoped3A : memref<!tpu.dma_semaphore, #tpu.memory_space<semaphore_mem>>)
        %dma_wait3A_35 = arith.constant 0 : i32
        %dma_wait3A_36 = tpu.memref_slice %arg5[%add3A_14, %dma_wait3A_35] : memref<32768x512xf32, #tpu.memory_space<hbm>> -> memref<64x512xf32, #tpu.memory_space<hbm>>
        %dma_wait3A_37 = arith.constant 0 : i32
        %dma_wait3A_38 = tpu.memref_slice %arg5[%add3A_14, %dma_wait3A_37] : memref<32768x512xf32, #tpu.memory_space<hbm>> -> memref<64x512xf32, #tpu.memory_space<hbm>>
        tpu.wait_dma2 semaphore(%run_scoped3A : memref<!tpu.dma_semaphore, #tpu.memory_space<semaphore_mem>>) src(%arg8 : memref<64x512xf32, #tpu.memory_space<vmem>>) dst(%dma_wait3A_38 : memref<64x512xf32, #tpu.memory_space<hbm>>)
        tpu.yield
      }) : () -> ()
      "tpu.region"() ({
        %run_scoped3A = tpu.sem_alloc : memref<!tpu.dma_semaphore, #tpu.memory_space<semaphore_mem>>
        %dma_start3A_31 = arith.constant 0 : i32
        %dma_start3A_32 = tpu.memref_slice %arg6[%add3A_14, %dma_start3A_31] : memref<32768x512xf32, #tpu.memory_space<hbm>> -> memref<64x512xf32, #tpu.memory_space<hbm>>
        %dma_start3A_33 = arith.constant 0 : i32
        %dma_start3A_34 = tpu.memref_slice %arg6[%add3A_14, %dma_start3A_33] : memref<32768x512xf32, #tpu.memory_space<hbm>> -> memref<64x512xf32, #tpu.memory_space<hbm>>
        tpu.enqueue_dma source(%arg9 : memref<64x512xf32, #tpu.memory_space<vmem>>) target(%dma_start3A_34 : memref<64x512xf32, #tpu.memory_space<hbm>>) target_semaphore(%run_scoped3A : memref<!tpu.dma_semaphore, #tpu.memory_space<semaphore_mem>>)
        %dma_wait3A_35 = arith.constant 0 : i32
        %dma_wait3A_36 = tpu.memref_slice %arg6[%add3A_14, %dma_wait3A_35] : memref<32768x512xf32, #tpu.memory_space<hbm>> -> memref<64x512xf32, #tpu.memory_space<hbm>>
        %dma_wait3A_37 = arith.constant 0 : i32
        %dma_wait3A_38 = tpu.memref_slice %arg6[%add3A_14, %dma_wait3A_37] : memref<32768x512xf32, #tpu.memory_space<hbm>> -> memref<64x512xf32, #tpu.memory_space<hbm>>
        tpu.wait_dma2 semaphore(%run_scoped3A : memref<!tpu.dma_semaphore, #tpu.memory_space<semaphore_mem>>) src(%arg9 : memref<64x512xf32, #tpu.memory_space<vmem>>) dst(%dma_wait3A_38 : memref<64x512xf32, #tpu.memory_space<hbm>>)
        tpu.yield
      }) : () -> ()
    }
    %scan3A_6 = arith.constant 16 : i32
    return
  }
}

module attributes {stable_mosaic.version = 14 : i64} {
  func.func @_knn_body(%arg0: i32, %arg1: memref<256x8xf32, #tpu.memory_space<vmem>>, %arg2: memref<8x4096xf32, #tpu.memory_space<vmem>>, %arg3: memref<256x16xi32, #tpu.memory_space<vmem>>) attributes {dimension_semantics = [#tpu.dimension_semantics<arbitrary>], iteration_bounds = array<i64: 8>, scalar_prefetch = 0 : i64, scratch_operands = 0 : i64, tpu.core_type = #tpu.core_type<tc>, window_params = [{transform_indices = @transform_0, window_bounds = array<i64: 256, 8>}, {pipeline_mode = #tpu.pipeline_mode<synchronous>, transform_indices = @transform_1, window_bounds = array<i64: 8, 4096>}, {transform_indices = @transform_2, window_bounds = array<i64: 256, 16>}]} {
    %get3A = arith.constant 0 : index
    %get3A_0 = arith.constant 0 : index
    %get3A_1 = vector.load %arg1[%get3A, %get3A_0] : memref<256x8xf32, #tpu.memory_space<vmem>>, vector<256x8xf32>
    %get3A_2 = arith.constant 0 : index
    %get3A_3 = arith.constant 0 : index
    %get3A_4 = vector.load %arg2[%get3A_2, %get3A_3] : memref<8x4096xf32, #tpu.memory_space<vmem>>, vector<8x4096xf32>
    %slice3A = vector.extract_strided_slice %get3A_1 {offsets = [0, 0], sizes = [256, 1], strides = [1, 1]} : vector<256x8xf32> to vector<256x1xf32>
    %slice3A_5 = vector.extract_strided_slice %get3A_1 {offsets = [0, 0], sizes = [256, 1], strides = [1, 1]} : vector<256x8xf32> to vector<256x1xf32>
    %mul3A = arith.mulf %slice3A, %slice3A_5 : vector<256x1xf32>
    %slice3A_6 = vector.extract_strided_slice %get3A_1 {offsets = [0, 1], sizes = [256, 1], strides = [1, 1]} : vector<256x8xf32> to vector<256x1xf32>
    %slice3A_7 = vector.extract_strided_slice %get3A_1 {offsets = [0, 1], sizes = [256, 1], strides = [1, 1]} : vector<256x8xf32> to vector<256x1xf32>
    %mul3A_8 = arith.mulf %slice3A_6, %slice3A_7 : vector<256x1xf32>
    %slice3A_9 = vector.extract_strided_slice %get3A_1 {offsets = [0, 2], sizes = [256, 1], strides = [1, 1]} : vector<256x8xf32> to vector<256x1xf32>
    %slice3A_10 = vector.extract_strided_slice %get3A_1 {offsets = [0, 2], sizes = [256, 1], strides = [1, 1]} : vector<256x8xf32> to vector<256x1xf32>
    %mul3A_11 = arith.mulf %slice3A_9, %slice3A_10 : vector<256x1xf32>
    %add3A = arith.addf %mul3A, %mul3A_11 : vector<256x1xf32>
    %add3A_12 = arith.addf %add3A, %mul3A_8 : vector<256x1xf32>
    %slice3A_13 = vector.extract_strided_slice %get3A_4 {offsets = [0, 0], sizes = [1, 4096], strides = [1, 1]} : vector<8x4096xf32> to vector<1x4096xf32>
    %slice3A_14 = vector.extract_strided_slice %get3A_4 {offsets = [0, 0], sizes = [1, 4096], strides = [1, 1]} : vector<8x4096xf32> to vector<1x4096xf32>
    %mul3A_15 = arith.mulf %slice3A_13, %slice3A_14 : vector<1x4096xf32>
    %slice3A_16 = vector.extract_strided_slice %get3A_4 {offsets = [1, 0], sizes = [1, 4096], strides = [1, 1]} : vector<8x4096xf32> to vector<1x4096xf32>
    %slice3A_17 = vector.extract_strided_slice %get3A_4 {offsets = [1, 0], sizes = [1, 4096], strides = [1, 1]} : vector<8x4096xf32> to vector<1x4096xf32>
    %mul3A_18 = arith.mulf %slice3A_16, %slice3A_17 : vector<1x4096xf32>
    %slice3A_19 = vector.extract_strided_slice %get3A_4 {offsets = [2, 0], sizes = [1, 4096], strides = [1, 1]} : vector<8x4096xf32> to vector<1x4096xf32>
    %slice3A_20 = vector.extract_strided_slice %get3A_4 {offsets = [2, 0], sizes = [1, 4096], strides = [1, 1]} : vector<8x4096xf32> to vector<1x4096xf32>
    %mul3A_21 = arith.mulf %slice3A_19, %slice3A_20 : vector<1x4096xf32>
    %add3A_22 = arith.addf %mul3A_15, %mul3A_21 : vector<1x4096xf32>
    %add3A_23 = arith.addf %add3A_22, %mul3A_18 : vector<1x4096xf32>
    %dot_general3A = arith.constant dense<0.000000e+00> : vector<256x4096xf32>
    %dot_general3A_24 = tpu.matmul %get3A_1, %get3A_4, %dot_general3A {dimension_numbers = #tpu.dot_dimension_numbers<[1], [0], [0], [1], [0, 0, 1, 1], [], []>, transpose_lhs_hint = false} : vector<256x8xf32>, vector<8x4096xf32>, vector<256x4096xf32> -> vector<256x4096xf32>
    %add3A_25 = vector.broadcast %add3A_12 : vector<256x1xf32> to vector<256x4096xf32>
    %add3A_26 = vector.broadcast %add3A_23 : vector<1x4096xf32> to vector<256x4096xf32>
    %add3A_27 = arith.addf %add3A_25, %add3A_26 : vector<256x4096xf32>
    %mul3A_28 = arith.constant 2.000000e+00 : f32
    %mul3A_29 = vector.broadcast %mul3A_28 : f32 to vector<256x4096xf32>
    %mul3A_30 = arith.mulf %dot_general3A_24, %mul3A_29 : vector<256x4096xf32>
    %sub3A = arith.subf %add3A_27, %mul3A_30 : vector<256x4096xf32>
    %iota3A = tpu.iota {dimensions = array<i32: 1>} : vector<256x4096xi32>
    %reduce_min3A = arith.constant dense<0x7F800000> : vector<256xf32>
    %reduce_min3A_31 = vector.multi_reduction <minimumf>, %sub3A, %reduce_min3A [1] : vector<256x4096xf32> to vector<256xf32>
    %broadcast_in_dim3A = vector.shape_cast %reduce_min3A_31 : vector<256xf32> to vector<256x1xf32>
    %eq3A = vector.broadcast %broadcast_in_dim3A : vector<256x1xf32> to vector<256x4096xf32>
    %eq3A_32 = arith.cmpf oeq, %sub3A, %eq3A : vector<256x4096xf32>
    %jit3A = arith.constant 4096 : i32
    %broadcast_in_dim3A_33 = vector.broadcast %jit3A : i32 to vector<256x4096xi32>
    %select_n3A = arith.select %eq3A_32, %iota3A, %broadcast_in_dim3A_33 : vector<256x4096xi1>, vector<256x4096xi32>
    %reduce_min3A_34 = arith.constant dense<2147483647> : vector<256xi32>
    %reduce_min3A_35 = vector.multi_reduction <minsi>, %select_n3A, %reduce_min3A_34 [1] : vector<256x4096xi32> to vector<256xi32>
    %broadcast_in_dim3A_36 = vector.shape_cast %reduce_min3A_35 : vector<256xi32> to vector<256x1xi32>
    %eq3A_37 = vector.broadcast %broadcast_in_dim3A_36 : vector<256x1xi32> to vector<256x4096xi32>
    %eq3A_38 = arith.cmpi eq, %iota3A, %eq3A_37 : vector<256x4096xi32>
    %jit3A_39 = arith.constant 0x7F800000 : f32
    %broadcast_in_dim3A_40 = vector.broadcast %jit3A_39 : f32 to vector<256x4096xf32>
    %select_n3A_41 = arith.select %eq3A_38, %broadcast_in_dim3A_40, %sub3A : vector<256x4096xi1>, vector<256x4096xf32>
    %reduce_min3A_42 = arith.constant dense<0x7F800000> : vector<256xf32>
    %reduce_min3A_43 = vector.multi_reduction <minimumf>, %select_n3A_41, %reduce_min3A_42 [1] : vector<256x4096xf32> to vector<256xf32>
    %broadcast_in_dim3A_44 = vector.shape_cast %reduce_min3A_43 : vector<256xf32> to vector<256x1xf32>
    %eq3A_45 = vector.broadcast %broadcast_in_dim3A_44 : vector<256x1xf32> to vector<256x4096xf32>
    %eq3A_46 = arith.cmpf oeq, %select_n3A_41, %eq3A_45 : vector<256x4096xf32>
    %jit3A_47 = arith.constant 4096 : i32
    %broadcast_in_dim3A_48 = vector.broadcast %jit3A_47 : i32 to vector<256x4096xi32>
    %select_n3A_49 = arith.select %eq3A_46, %iota3A, %broadcast_in_dim3A_48 : vector<256x4096xi1>, vector<256x4096xi32>
    %reduce_min3A_50 = arith.constant dense<2147483647> : vector<256xi32>
    %reduce_min3A_51 = vector.multi_reduction <minsi>, %select_n3A_49, %reduce_min3A_50 [1] : vector<256x4096xi32> to vector<256xi32>
    %broadcast_in_dim3A_52 = vector.shape_cast %reduce_min3A_51 : vector<256xi32> to vector<256x1xi32>
    %eq3A_53 = vector.broadcast %broadcast_in_dim3A_52 : vector<256x1xi32> to vector<256x4096xi32>
    %eq3A_54 = arith.cmpi eq, %iota3A, %eq3A_53 : vector<256x4096xi32>
    %jit3A_55 = arith.constant 0x7F800000 : f32
    %broadcast_in_dim3A_56 = vector.broadcast %jit3A_55 : f32 to vector<256x4096xf32>
    %select_n3A_57 = arith.select %eq3A_54, %broadcast_in_dim3A_56, %select_n3A_41 : vector<256x4096xi1>, vector<256x4096xf32>
    %reduce_min3A_58 = arith.constant dense<0x7F800000> : vector<256xf32>
    %reduce_min3A_59 = vector.multi_reduction <minimumf>, %select_n3A_57, %reduce_min3A_58 [1] : vector<256x4096xf32> to vector<256xf32>
    %broadcast_in_dim3A_60 = vector.shape_cast %reduce_min3A_59 : vector<256xf32> to vector<256x1xf32>
    %eq3A_61 = vector.broadcast %broadcast_in_dim3A_60 : vector<256x1xf32> to vector<256x4096xf32>
    %eq3A_62 = arith.cmpf oeq, %select_n3A_57, %eq3A_61 : vector<256x4096xf32>
    %jit3A_63 = arith.constant 4096 : i32
    %broadcast_in_dim3A_64 = vector.broadcast %jit3A_63 : i32 to vector<256x4096xi32>
    %select_n3A_65 = arith.select %eq3A_62, %iota3A, %broadcast_in_dim3A_64 : vector<256x4096xi1>, vector<256x4096xi32>
    %reduce_min3A_66 = arith.constant dense<2147483647> : vector<256xi32>
    %reduce_min3A_67 = vector.multi_reduction <minsi>, %select_n3A_65, %reduce_min3A_66 [1] : vector<256x4096xi32> to vector<256xi32>
    %broadcast_in_dim3A_68 = vector.shape_cast %reduce_min3A_67 : vector<256xi32> to vector<256x1xi32>
    %eq3A_69 = vector.broadcast %broadcast_in_dim3A_68 : vector<256x1xi32> to vector<256x4096xi32>
    %eq3A_70 = arith.cmpi eq, %iota3A, %eq3A_69 : vector<256x4096xi32>
    %jit3A_71 = arith.constant 0x7F800000 : f32
    %broadcast_in_dim3A_72 = vector.broadcast %jit3A_71 : f32 to vector<256x4096xf32>
    %select_n3A_73 = arith.select %eq3A_70, %broadcast_in_dim3A_72, %select_n3A_57 : vector<256x4096xi1>, vector<256x4096xf32>
    %reduce_min3A_74 = arith.constant dense<0x7F800000> : vector<256xf32>
    %reduce_min3A_75 = vector.multi_reduction <minimumf>, %select_n3A_73, %reduce_min3A_74 [1] : vector<256x4096xf32> to vector<256xf32>
    %broadcast_in_dim3A_76 = vector.shape_cast %reduce_min3A_75 : vector<256xf32> to vector<256x1xf32>
    %eq3A_77 = vector.broadcast %broadcast_in_dim3A_76 : vector<256x1xf32> to vector<256x4096xf32>
    %eq3A_78 = arith.cmpf oeq, %select_n3A_73, %eq3A_77 : vector<256x4096xf32>
    %jit3A_79 = arith.constant 4096 : i32
    %broadcast_in_dim3A_80 = vector.broadcast %jit3A_79 : i32 to vector<256x4096xi32>
    %select_n3A_81 = arith.select %eq3A_78, %iota3A, %broadcast_in_dim3A_80 : vector<256x4096xi1>, vector<256x4096xi32>
    %reduce_min3A_82 = arith.constant dense<2147483647> : vector<256xi32>
    %reduce_min3A_83 = vector.multi_reduction <minsi>, %select_n3A_81, %reduce_min3A_82 [1] : vector<256x4096xi32> to vector<256xi32>
    %broadcast_in_dim3A_84 = vector.shape_cast %reduce_min3A_83 : vector<256xi32> to vector<256x1xi32>
    %eq3A_85 = vector.broadcast %broadcast_in_dim3A_84 : vector<256x1xi32> to vector<256x4096xi32>
    %eq3A_86 = arith.cmpi eq, %iota3A, %eq3A_85 : vector<256x4096xi32>
    %jit3A_87 = arith.constant 0x7F800000 : f32
    %broadcast_in_dim3A_88 = vector.broadcast %jit3A_87 : f32 to vector<256x4096xf32>
    %select_n3A_89 = arith.select %eq3A_86, %broadcast_in_dim3A_88, %select_n3A_73 : vector<256x4096xi1>, vector<256x4096xf32>
    %reduce_min3A_90 = arith.constant dense<0x7F800000> : vector<256xf32>
    %reduce_min3A_91 = vector.multi_reduction <minimumf>, %select_n3A_89, %reduce_min3A_90 [1] : vector<256x4096xf32> to vector<256xf32>
    %broadcast_in_dim3A_92 = vector.shape_cast %reduce_min3A_91 : vector<256xf32> to vector<256x1xf32>
    %eq3A_93 = vector.broadcast %broadcast_in_dim3A_92 : vector<256x1xf32> to vector<256x4096xf32>
    %eq3A_94 = arith.cmpf oeq, %select_n3A_89, %eq3A_93 : vector<256x4096xf32>
    %jit3A_95 = arith.constant 4096 : i32
    %broadcast_in_dim3A_96 = vector.broadcast %jit3A_95 : i32 to vector<256x4096xi32>
    %select_n3A_97 = arith.select %eq3A_94, %iota3A, %broadcast_in_dim3A_96 : vector<256x4096xi1>, vector<256x4096xi32>
    %reduce_min3A_98 = arith.constant dense<2147483647> : vector<256xi32>
    %reduce_min3A_99 = vector.multi_reduction <minsi>, %select_n3A_97, %reduce_min3A_98 [1] : vector<256x4096xi32> to vector<256xi32>
    %broadcast_in_dim3A_100 = vector.shape_cast %reduce_min3A_99 : vector<256xi32> to vector<256x1xi32>
    %eq3A_101 = vector.broadcast %broadcast_in_dim3A_100 : vector<256x1xi32> to vector<256x4096xi32>
    %eq3A_102 = arith.cmpi eq, %iota3A, %eq3A_101 : vector<256x4096xi32>
    %jit3A_103 = arith.constant 0x7F800000 : f32
    %broadcast_in_dim3A_104 = vector.broadcast %jit3A_103 : f32 to vector<256x4096xf32>
    %select_n3A_105 = arith.select %eq3A_102, %broadcast_in_dim3A_104, %select_n3A_89 : vector<256x4096xi1>, vector<256x4096xf32>
    %reduce_min3A_106 = arith.constant dense<0x7F800000> : vector<256xf32>
    %reduce_min3A_107 = vector.multi_reduction <minimumf>, %select_n3A_105, %reduce_min3A_106 [1] : vector<256x4096xf32> to vector<256xf32>
    %broadcast_in_dim3A_108 = vector.shape_cast %reduce_min3A_107 : vector<256xf32> to vector<256x1xf32>
    %eq3A_109 = vector.broadcast %broadcast_in_dim3A_108 : vector<256x1xf32> to vector<256x4096xf32>
    %eq3A_110 = arith.cmpf oeq, %select_n3A_105, %eq3A_109 : vector<256x4096xf32>
    %jit3A_111 = arith.constant 4096 : i32
    %broadcast_in_dim3A_112 = vector.broadcast %jit3A_111 : i32 to vector<256x4096xi32>
    %select_n3A_113 = arith.select %eq3A_110, %iota3A, %broadcast_in_dim3A_112 : vector<256x4096xi1>, vector<256x4096xi32>
    %reduce_min3A_114 = arith.constant dense<2147483647> : vector<256xi32>
    %reduce_min3A_115 = vector.multi_reduction <minsi>, %select_n3A_113, %reduce_min3A_114 [1] : vector<256x4096xi32> to vector<256xi32>
    %broadcast_in_dim3A_116 = vector.shape_cast %reduce_min3A_115 : vector<256xi32> to vector<256x1xi32>
    %eq3A_117 = vector.broadcast %broadcast_in_dim3A_116 : vector<256x1xi32> to vector<256x4096xi32>
    %eq3A_118 = arith.cmpi eq, %iota3A, %eq3A_117 : vector<256x4096xi32>
    %jit3A_119 = arith.constant 0x7F800000 : f32
    %broadcast_in_dim3A_120 = vector.broadcast %jit3A_119 : f32 to vector<256x4096xf32>
    %select_n3A_121 = arith.select %eq3A_118, %broadcast_in_dim3A_120, %select_n3A_105 : vector<256x4096xi1>, vector<256x4096xf32>
    %reduce_min3A_122 = arith.constant dense<0x7F800000> : vector<256xf32>
    %reduce_min3A_123 = vector.multi_reduction <minimumf>, %select_n3A_121, %reduce_min3A_122 [1] : vector<256x4096xf32> to vector<256xf32>
    %broadcast_in_dim3A_124 = vector.shape_cast %reduce_min3A_123 : vector<256xf32> to vector<256x1xf32>
    %eq3A_125 = vector.broadcast %broadcast_in_dim3A_124 : vector<256x1xf32> to vector<256x4096xf32>
    %eq3A_126 = arith.cmpf oeq, %select_n3A_121, %eq3A_125 : vector<256x4096xf32>
    %jit3A_127 = arith.constant 4096 : i32
    %broadcast_in_dim3A_128 = vector.broadcast %jit3A_127 : i32 to vector<256x4096xi32>
    %select_n3A_129 = arith.select %eq3A_126, %iota3A, %broadcast_in_dim3A_128 : vector<256x4096xi1>, vector<256x4096xi32>
    %reduce_min3A_130 = arith.constant dense<2147483647> : vector<256xi32>
    %reduce_min3A_131 = vector.multi_reduction <minsi>, %select_n3A_129, %reduce_min3A_130 [1] : vector<256x4096xi32> to vector<256xi32>
    %broadcast_in_dim3A_132 = vector.shape_cast %reduce_min3A_131 : vector<256xi32> to vector<256x1xi32>
    %eq3A_133 = vector.broadcast %broadcast_in_dim3A_132 : vector<256x1xi32> to vector<256x4096xi32>
    %eq3A_134 = arith.cmpi eq, %iota3A, %eq3A_133 : vector<256x4096xi32>
    %jit3A_135 = arith.constant 0x7F800000 : f32
    %broadcast_in_dim3A_136 = vector.broadcast %jit3A_135 : f32 to vector<256x4096xf32>
    %select_n3A_137 = arith.select %eq3A_134, %broadcast_in_dim3A_136, %select_n3A_121 : vector<256x4096xi1>, vector<256x4096xf32>
    %reduce_min3A_138 = arith.constant dense<0x7F800000> : vector<256xf32>
    %reduce_min3A_139 = vector.multi_reduction <minimumf>, %select_n3A_137, %reduce_min3A_138 [1] : vector<256x4096xf32> to vector<256xf32>
    %broadcast_in_dim3A_140 = vector.shape_cast %reduce_min3A_139 : vector<256xf32> to vector<256x1xf32>
    %eq3A_141 = vector.broadcast %broadcast_in_dim3A_140 : vector<256x1xf32> to vector<256x4096xf32>
    %eq3A_142 = arith.cmpf oeq, %select_n3A_137, %eq3A_141 : vector<256x4096xf32>
    %jit3A_143 = arith.constant 4096 : i32
    %broadcast_in_dim3A_144 = vector.broadcast %jit3A_143 : i32 to vector<256x4096xi32>
    %select_n3A_145 = arith.select %eq3A_142, %iota3A, %broadcast_in_dim3A_144 : vector<256x4096xi1>, vector<256x4096xi32>
    %reduce_min3A_146 = arith.constant dense<2147483647> : vector<256xi32>
    %reduce_min3A_147 = vector.multi_reduction <minsi>, %select_n3A_145, %reduce_min3A_146 [1] : vector<256x4096xi32> to vector<256xi32>
    %broadcast_in_dim3A_148 = vector.shape_cast %reduce_min3A_147 : vector<256xi32> to vector<256x1xi32>
    %eq3A_149 = vector.broadcast %broadcast_in_dim3A_148 : vector<256x1xi32> to vector<256x4096xi32>
    %eq3A_150 = arith.cmpi eq, %iota3A, %eq3A_149 : vector<256x4096xi32>
    %jit3A_151 = arith.constant 0x7F800000 : f32
    %broadcast_in_dim3A_152 = vector.broadcast %jit3A_151 : f32 to vector<256x4096xf32>
    %select_n3A_153 = arith.select %eq3A_150, %broadcast_in_dim3A_152, %select_n3A_137 : vector<256x4096xi1>, vector<256x4096xf32>
    %reduce_min3A_154 = arith.constant dense<0x7F800000> : vector<256xf32>
    %reduce_min3A_155 = vector.multi_reduction <minimumf>, %select_n3A_153, %reduce_min3A_154 [1] : vector<256x4096xf32> to vector<256xf32>
    %broadcast_in_dim3A_156 = vector.shape_cast %reduce_min3A_155 : vector<256xf32> to vector<256x1xf32>
    %eq3A_157 = vector.broadcast %broadcast_in_dim3A_156 : vector<256x1xf32> to vector<256x4096xf32>
    %eq3A_158 = arith.cmpf oeq, %select_n3A_153, %eq3A_157 : vector<256x4096xf32>
    %jit3A_159 = arith.constant 4096 : i32
    %broadcast_in_dim3A_160 = vector.broadcast %jit3A_159 : i32 to vector<256x4096xi32>
    %select_n3A_161 = arith.select %eq3A_158, %iota3A, %broadcast_in_dim3A_160 : vector<256x4096xi1>, vector<256x4096xi32>
    %reduce_min3A_162 = arith.constant dense<2147483647> : vector<256xi32>
    %reduce_min3A_163 = vector.multi_reduction <minsi>, %select_n3A_161, %reduce_min3A_162 [1] : vector<256x4096xi32> to vector<256xi32>
    %broadcast_in_dim3A_164 = vector.shape_cast %reduce_min3A_163 : vector<256xi32> to vector<256x1xi32>
    %eq3A_165 = vector.broadcast %broadcast_in_dim3A_164 : vector<256x1xi32> to vector<256x4096xi32>
    %eq3A_166 = arith.cmpi eq, %iota3A, %eq3A_165 : vector<256x4096xi32>
    %jit3A_167 = arith.constant 0x7F800000 : f32
    %broadcast_in_dim3A_168 = vector.broadcast %jit3A_167 : f32 to vector<256x4096xf32>
    %select_n3A_169 = arith.select %eq3A_166, %broadcast_in_dim3A_168, %select_n3A_153 : vector<256x4096xi1>, vector<256x4096xf32>
    %reduce_min3A_170 = arith.constant dense<0x7F800000> : vector<256xf32>
    %reduce_min3A_171 = vector.multi_reduction <minimumf>, %select_n3A_169, %reduce_min3A_170 [1] : vector<256x4096xf32> to vector<256xf32>
    %broadcast_in_dim3A_172 = vector.shape_cast %reduce_min3A_171 : vector<256xf32> to vector<256x1xf32>
    %eq3A_173 = vector.broadcast %broadcast_in_dim3A_172 : vector<256x1xf32> to vector<256x4096xf32>
    %eq3A_174 = arith.cmpf oeq, %select_n3A_169, %eq3A_173 : vector<256x4096xf32>
    %jit3A_175 = arith.constant 4096 : i32
    %broadcast_in_dim3A_176 = vector.broadcast %jit3A_175 : i32 to vector<256x4096xi32>
    %select_n3A_177 = arith.select %eq3A_174, %iota3A, %broadcast_in_dim3A_176 : vector<256x4096xi1>, vector<256x4096xi32>
    %reduce_min3A_178 = arith.constant dense<2147483647> : vector<256xi32>
    %reduce_min3A_179 = vector.multi_reduction <minsi>, %select_n3A_177, %reduce_min3A_178 [1] : vector<256x4096xi32> to vector<256xi32>
    %broadcast_in_dim3A_180 = vector.shape_cast %reduce_min3A_179 : vector<256xi32> to vector<256x1xi32>
    %eq3A_181 = vector.broadcast %broadcast_in_dim3A_180 : vector<256x1xi32> to vector<256x4096xi32>
    %eq3A_182 = arith.cmpi eq, %iota3A, %eq3A_181 : vector<256x4096xi32>
    %jit3A_183 = arith.constant 0x7F800000 : f32
    %broadcast_in_dim3A_184 = vector.broadcast %jit3A_183 : f32 to vector<256x4096xf32>
    %select_n3A_185 = arith.select %eq3A_182, %broadcast_in_dim3A_184, %select_n3A_169 : vector<256x4096xi1>, vector<256x4096xf32>
    %reduce_min3A_186 = arith.constant dense<0x7F800000> : vector<256xf32>
    %reduce_min3A_187 = vector.multi_reduction <minimumf>, %select_n3A_185, %reduce_min3A_186 [1] : vector<256x4096xf32> to vector<256xf32>
    %broadcast_in_dim3A_188 = vector.shape_cast %reduce_min3A_187 : vector<256xf32> to vector<256x1xf32>
    %eq3A_189 = vector.broadcast %broadcast_in_dim3A_188 : vector<256x1xf32> to vector<256x4096xf32>
    %eq3A_190 = arith.cmpf oeq, %select_n3A_185, %eq3A_189 : vector<256x4096xf32>
    %jit3A_191 = arith.constant 4096 : i32
    %broadcast_in_dim3A_192 = vector.broadcast %jit3A_191 : i32 to vector<256x4096xi32>
    %select_n3A_193 = arith.select %eq3A_190, %iota3A, %broadcast_in_dim3A_192 : vector<256x4096xi1>, vector<256x4096xi32>
    %reduce_min3A_194 = arith.constant dense<2147483647> : vector<256xi32>
    %reduce_min3A_195 = vector.multi_reduction <minsi>, %select_n3A_193, %reduce_min3A_194 [1] : vector<256x4096xi32> to vector<256xi32>
    %broadcast_in_dim3A_196 = vector.shape_cast %reduce_min3A_195 : vector<256xi32> to vector<256x1xi32>
    %eq3A_197 = vector.broadcast %broadcast_in_dim3A_196 : vector<256x1xi32> to vector<256x4096xi32>
    %eq3A_198 = arith.cmpi eq, %iota3A, %eq3A_197 : vector<256x4096xi32>
    %jit3A_199 = arith.constant 0x7F800000 : f32
    %broadcast_in_dim3A_200 = vector.broadcast %jit3A_199 : f32 to vector<256x4096xf32>
    %select_n3A_201 = arith.select %eq3A_198, %broadcast_in_dim3A_200, %select_n3A_185 : vector<256x4096xi1>, vector<256x4096xf32>
    %reduce_min3A_202 = arith.constant dense<0x7F800000> : vector<256xf32>
    %reduce_min3A_203 = vector.multi_reduction <minimumf>, %select_n3A_201, %reduce_min3A_202 [1] : vector<256x4096xf32> to vector<256xf32>
    %broadcast_in_dim3A_204 = vector.shape_cast %reduce_min3A_203 : vector<256xf32> to vector<256x1xf32>
    %eq3A_205 = vector.broadcast %broadcast_in_dim3A_204 : vector<256x1xf32> to vector<256x4096xf32>
    %eq3A_206 = arith.cmpf oeq, %select_n3A_201, %eq3A_205 : vector<256x4096xf32>
    %jit3A_207 = arith.constant 4096 : i32
    %broadcast_in_dim3A_208 = vector.broadcast %jit3A_207 : i32 to vector<256x4096xi32>
    %select_n3A_209 = arith.select %eq3A_206, %iota3A, %broadcast_in_dim3A_208 : vector<256x4096xi1>, vector<256x4096xi32>
    %reduce_min3A_210 = arith.constant dense<2147483647> : vector<256xi32>
    %reduce_min3A_211 = vector.multi_reduction <minsi>, %select_n3A_209, %reduce_min3A_210 [1] : vector<256x4096xi32> to vector<256xi32>
    %broadcast_in_dim3A_212 = vector.shape_cast %reduce_min3A_211 : vector<256xi32> to vector<256x1xi32>
    %eq3A_213 = vector.broadcast %broadcast_in_dim3A_212 : vector<256x1xi32> to vector<256x4096xi32>
    %eq3A_214 = arith.cmpi eq, %iota3A, %eq3A_213 : vector<256x4096xi32>
    %jit3A_215 = arith.constant 0x7F800000 : f32
    %broadcast_in_dim3A_216 = vector.broadcast %jit3A_215 : f32 to vector<256x4096xf32>
    %select_n3A_217 = arith.select %eq3A_214, %broadcast_in_dim3A_216, %select_n3A_201 : vector<256x4096xi1>, vector<256x4096xf32>
    %reduce_min3A_218 = arith.constant dense<0x7F800000> : vector<256xf32>
    %reduce_min3A_219 = vector.multi_reduction <minimumf>, %select_n3A_217, %reduce_min3A_218 [1] : vector<256x4096xf32> to vector<256xf32>
    %broadcast_in_dim3A_220 = vector.shape_cast %reduce_min3A_219 : vector<256xf32> to vector<256x1xf32>
    %eq3A_221 = vector.broadcast %broadcast_in_dim3A_220 : vector<256x1xf32> to vector<256x4096xf32>
    %eq3A_222 = arith.cmpf oeq, %select_n3A_217, %eq3A_221 : vector<256x4096xf32>
    %jit3A_223 = arith.constant 4096 : i32
    %broadcast_in_dim3A_224 = vector.broadcast %jit3A_223 : i32 to vector<256x4096xi32>
    %select_n3A_225 = arith.select %eq3A_222, %iota3A, %broadcast_in_dim3A_224 : vector<256x4096xi1>, vector<256x4096xi32>
    %reduce_min3A_226 = arith.constant dense<2147483647> : vector<256xi32>
    %reduce_min3A_227 = vector.multi_reduction <minsi>, %select_n3A_225, %reduce_min3A_226 [1] : vector<256x4096xi32> to vector<256xi32>
    %broadcast_in_dim3A_228 = vector.shape_cast %reduce_min3A_227 : vector<256xi32> to vector<256x1xi32>
    %eq3A_229 = vector.broadcast %broadcast_in_dim3A_228 : vector<256x1xi32> to vector<256x4096xi32>
    %eq3A_230 = arith.cmpi eq, %iota3A, %eq3A_229 : vector<256x4096xi32>
    %jit3A_231 = arith.constant 0x7F800000 : f32
    %broadcast_in_dim3A_232 = vector.broadcast %jit3A_231 : f32 to vector<256x4096xf32>
    %select_n3A_233 = arith.select %eq3A_230, %broadcast_in_dim3A_232, %select_n3A_217 : vector<256x4096xi1>, vector<256x4096xf32>
    %reduce_min3A_234 = arith.constant dense<0x7F800000> : vector<256xf32>
    %reduce_min3A_235 = vector.multi_reduction <minimumf>, %select_n3A_233, %reduce_min3A_234 [1] : vector<256x4096xf32> to vector<256xf32>
    %broadcast_in_dim3A_236 = vector.shape_cast %reduce_min3A_235 : vector<256xf32> to vector<256x1xf32>
    %eq3A_237 = vector.broadcast %broadcast_in_dim3A_236 : vector<256x1xf32> to vector<256x4096xf32>
    %eq3A_238 = arith.cmpf oeq, %select_n3A_233, %eq3A_237 : vector<256x4096xf32>
    %jit3A_239 = arith.constant 4096 : i32
    %broadcast_in_dim3A_240 = vector.broadcast %jit3A_239 : i32 to vector<256x4096xi32>
    %select_n3A_241 = arith.select %eq3A_238, %iota3A, %broadcast_in_dim3A_240 : vector<256x4096xi1>, vector<256x4096xi32>
    %reduce_min3A_242 = arith.constant dense<2147483647> : vector<256xi32>
    %reduce_min3A_243 = vector.multi_reduction <minsi>, %select_n3A_241, %reduce_min3A_242 [1] : vector<256x4096xi32> to vector<256xi32>
    %broadcast_in_dim3A_244 = vector.shape_cast %reduce_min3A_243 : vector<256xi32> to vector<256x1xi32>
    %eq3A_245 = vector.broadcast %broadcast_in_dim3A_244 : vector<256x1xi32> to vector<256x4096xi32>
    %eq3A_246 = arith.cmpi eq, %iota3A, %eq3A_245 : vector<256x4096xi32>
    %jit3A_247 = arith.constant 0x7F800000 : f32
    %broadcast_in_dim3A_248 = vector.broadcast %jit3A_247 : f32 to vector<256x4096xf32>
    %select_n3A_249 = arith.select %eq3A_246, %broadcast_in_dim3A_248, %select_n3A_233 : vector<256x4096xi1>, vector<256x4096xf32>
    %reduce_min3A_250 = arith.constant dense<0x7F800000> : vector<256xf32>
    %reduce_min3A_251 = vector.multi_reduction <minimumf>, %select_n3A_249, %reduce_min3A_250 [1] : vector<256x4096xf32> to vector<256xf32>
    %broadcast_in_dim3A_252 = vector.shape_cast %reduce_min3A_251 : vector<256xf32> to vector<256x1xf32>
    %eq3A_253 = vector.broadcast %broadcast_in_dim3A_252 : vector<256x1xf32> to vector<256x4096xf32>
    %eq3A_254 = arith.cmpf oeq, %select_n3A_249, %eq3A_253 : vector<256x4096xf32>
    %jit3A_255 = arith.constant 4096 : i32
    %broadcast_in_dim3A_256 = vector.broadcast %jit3A_255 : i32 to vector<256x4096xi32>
    %select_n3A_257 = arith.select %eq3A_254, %iota3A, %broadcast_in_dim3A_256 : vector<256x4096xi1>, vector<256x4096xi32>
    %reduce_min3A_258 = arith.constant dense<2147483647> : vector<256xi32>
    %reduce_min3A_259 = vector.multi_reduction <minsi>, %select_n3A_257, %reduce_min3A_258 [1] : vector<256x4096xi32> to vector<256xi32>
    %broadcast_in_dim3A_260 = vector.shape_cast %reduce_min3A_259 : vector<256xi32> to vector<256x1xi32>
    %eq3A_261 = vector.broadcast %broadcast_in_dim3A_260 : vector<256x1xi32> to vector<256x4096xi32>
    %eq3A_262 = arith.cmpi eq, %iota3A, %eq3A_261 : vector<256x4096xi32>
    %jit3A_263 = arith.constant 0x7F800000 : f32
    %broadcast_in_dim3A_264 = vector.broadcast %jit3A_263 : f32 to vector<256x4096xf32>
    %select_n3A_265 = arith.select %eq3A_262, %broadcast_in_dim3A_264, %select_n3A_249 : vector<256x4096xi1>, vector<256x4096xf32>
    %reduce_min3A_266 = arith.constant dense<0x7F800000> : vector<256xf32>
    %reduce_min3A_267 = vector.multi_reduction <minimumf>, %select_n3A_265, %reduce_min3A_266 [1] : vector<256x4096xf32> to vector<256xf32>
    %broadcast_in_dim3A_268 = vector.shape_cast %reduce_min3A_267 : vector<256xf32> to vector<256x1xf32>
    %eq3A_269 = vector.broadcast %broadcast_in_dim3A_268 : vector<256x1xf32> to vector<256x4096xf32>
    %eq3A_270 = arith.cmpf oeq, %select_n3A_265, %eq3A_269 : vector<256x4096xf32>
    %jit3A_271 = arith.constant 4096 : i32
    %broadcast_in_dim3A_272 = vector.broadcast %jit3A_271 : i32 to vector<256x4096xi32>
    %select_n3A_273 = arith.select %eq3A_270, %iota3A, %broadcast_in_dim3A_272 : vector<256x4096xi1>, vector<256x4096xi32>
    %reduce_min3A_274 = arith.constant dense<2147483647> : vector<256xi32>
    %reduce_min3A_275 = vector.multi_reduction <minsi>, %select_n3A_273, %reduce_min3A_274 [1] : vector<256x4096xi32> to vector<256xi32>
    %broadcast_in_dim3A_276 = vector.shape_cast %reduce_min3A_275 : vector<256xi32> to vector<256x1xi32>
    %concatenate3A = tpu.concatenate %broadcast_in_dim3A_36, %broadcast_in_dim3A_52, %broadcast_in_dim3A_68, %broadcast_in_dim3A_84, %broadcast_in_dim3A_100, %broadcast_in_dim3A_116, %broadcast_in_dim3A_132, %broadcast_in_dim3A_148, %broadcast_in_dim3A_164, %broadcast_in_dim3A_180, %broadcast_in_dim3A_196, %broadcast_in_dim3A_212, %broadcast_in_dim3A_228, %broadcast_in_dim3A_244, %broadcast_in_dim3A_260, %broadcast_in_dim3A_276 in 1 : vector<256x1xi32>, vector<256x1xi32>, vector<256x1xi32>, vector<256x1xi32>, vector<256x1xi32>, vector<256x1xi32>, vector<256x1xi32>, vector<256x1xi32>, vector<256x1xi32>, vector<256x1xi32>, vector<256x1xi32>, vector<256x1xi32>, vector<256x1xi32>, vector<256x1xi32>, vector<256x1xi32>, vector<256x1xi32> -> vector<256x16xi32>
    %swap3A = arith.constant 0 : index
    %swap3A_277 = arith.constant 0 : index
    %swap3A_278 = vector.load %arg3[%swap3A, %swap3A_277] : memref<256x16xi32, #tpu.memory_space<vmem>>, vector<256x16xi32>
    tpu.vector_store %arg3[%swap3A, %swap3A_277], %concatenate3A {strides = array<i32>} : memref<256x16xi32, #tpu.memory_space<vmem>>, vector<256x16xi32>,
    return
  }
  func.func @transform_0(%arg0: i32) -> (i32, i32) {
    %add3A = arith.constant 8 : i32
    %add3A_0 = arith.addi %arg0, %add3A : i32
    %c0_i32 = arith.constant 0 : i32
    %c0_i32_1 = arith.constant 0 : i32
    return %add3A_0, %c0_i32 : i32, i32
  }
  func.func @transform_1(%arg0: i32) -> (i32, i32) {
    %c0_i32 = arith.constant 0 : i32
    %c0_i32_0 = arith.constant 0 : i32
    %c0_i32_1 = arith.constant 0 : i32
    return %c0_i32, %c0_i32_0 : i32, i32
  }
  func.func @transform_2(%arg0: i32) -> (i32, i32) {
    %c0_i32 = arith.constant 0 : i32
    %c0_i32_0 = arith.constant 0 : i32
    return %arg0, %c0_i32 : i32, i32
  }
}

module attributes {stable_mosaic.version = 14 : i64} {
  func.func @_proj_body(%arg0: i32, %arg1: memref<256x512xf32, #tpu.memory_space<vmem>>, %arg2: memref<512x512xf32, #tpu.memory_space<vmem>>, %arg3: memref<512x512xf32, #tpu.memory_space<vmem>>, %arg4: memref<512x512xf32, #tpu.memory_space<vmem>>, %arg5: memref<256x512xf32, #tpu.memory_space<vmem>>, %arg6: memref<256x512xf32, #tpu.memory_space<vmem>>, %arg7: memref<256x512xf32, #tpu.memory_space<vmem>>) attributes {dimension_semantics = [#tpu.dimension_semantics<arbitrary>], iteration_bounds = array<i64: 16>, scalar_prefetch = 0 : i64, scratch_operands = 0 : i64, tpu.core_type = #tpu.core_type<tc>, window_params = [{transform_indices = @transform_0, window_bounds = array<i64: 256, 512>}, {pipeline_mode = #tpu.pipeline_mode<synchronous>, transform_indices = @transform_1, window_bounds = array<i64: 512, 512>}, {pipeline_mode = #tpu.pipeline_mode<synchronous>, transform_indices = @transform_2, window_bounds = array<i64: 512, 512>}, {pipeline_mode = #tpu.pipeline_mode<synchronous>, transform_indices = @transform_3, window_bounds = array<i64: 512, 512>}, {transform_indices = @transform_4, window_bounds = array<i64: 256, 512>}, {transform_indices = @transform_5, window_bounds = array<i64: 256, 512>}, {transform_indices = @transform_6, window_bounds = array<i64: 256, 512>}]} {
    %get3A = arith.constant 0 : index
    %get3A_0 = arith.constant 0 : index
    %get3A_1 = vector.load %arg1[%get3A, %get3A_0] : memref<256x512xf32, #tpu.memory_space<vmem>>, vector<256x512xf32>
    %get3A_2 = arith.constant 0 : index
    %get3A_3 = arith.constant 0 : index
    %get3A_4 = vector.load %arg2[%get3A_2, %get3A_3] : memref<512x512xf32, #tpu.memory_space<vmem>>, vector<512x512xf32>
    %dot_general3A = arith.constant dense<0.000000e+00> : vector<256x512xf32>
    %dot_general3A_5 = tpu.matmul %get3A_1, %get3A_4, %dot_general3A {dimension_numbers = #tpu.dot_dimension_numbers<[1], [1], [0], [0], [0, 0, 1, 0], [], []>, transpose_lhs_hint = false} : vector<256x512xf32>, vector<512x512xf32>, vector<256x512xf32> -> vector<256x512xf32>
    %swap3A = arith.constant 0 : index
    %swap3A_6 = arith.constant 0 : index
    %swap3A_7 = vector.load %arg5[%swap3A, %swap3A_6] : memref<256x512xf32, #tpu.memory_space<vmem>>, vector<256x512xf32>
    tpu.vector_store %arg5[%swap3A, %swap3A_6], %dot_general3A_5 {strides = array<i32>} : memref<256x512xf32, #tpu.memory_space<vmem>>, vector<256x512xf32>,
    %get3A_8 = arith.constant 0 : index
    %get3A_9 = arith.constant 0 : index
    %get3A_10 = vector.load %arg3[%get3A_8, %get3A_9] : memref<512x512xf32, #tpu.memory_space<vmem>>, vector<512x512xf32>
    %dot_general3A_11 = arith.constant dense<0.000000e+00> : vector<256x512xf32>
    %dot_general3A_12 = tpu.matmul %get3A_1, %get3A_10, %dot_general3A_11 {dimension_numbers = #tpu.dot_dimension_numbers<[1], [1], [0], [0], [0, 0, 1, 0], [], []>, transpose_lhs_hint = false} : vector<256x512xf32>, vector<512x512xf32>, vector<256x512xf32> -> vector<256x512xf32>
    %swap3A_13 = arith.constant 0 : index
    %swap3A_14 = arith.constant 0 : index
    %swap3A_15 = vector.load %arg6[%swap3A_13, %swap3A_14] : memref<256x512xf32, #tpu.memory_space<vmem>>, vector<256x512xf32>
    tpu.vector_store %arg6[%swap3A_13, %swap3A_14], %dot_general3A_12 {strides = array<i32>} : memref<256x512xf32, #tpu.memory_space<vmem>>, vector<256x512xf32>,
    %get3A_16 = arith.constant 0 : index
    %get3A_17 = arith.constant 0 : index
    %get3A_18 = vector.load %arg4[%get3A_16, %get3A_17] : memref<512x512xf32, #tpu.memory_space<vmem>>, vector<512x512xf32>
    %dot_general3A_19 = arith.constant dense<0.000000e+00> : vector<256x512xf32>
    %dot_general3A_20 = tpu.matmul %get3A_1, %get3A_18, %dot_general3A_19 {dimension_numbers = #tpu.dot_dimension_numbers<[1], [1], [0], [0], [0, 0, 1, 0], [], []>, transpose_lhs_hint = false} : vector<256x512xf32>, vector<512x512xf32>, vector<256x512xf32> -> vector<256x512xf32>
    %swap3A_21 = arith.constant 0 : index
    %swap3A_22 = arith.constant 0 : index
    %swap3A_23 = vector.load %arg7[%swap3A_21, %swap3A_22] : memref<256x512xf32, #tpu.memory_space<vmem>>, vector<256x512xf32>
    tpu.vector_store %arg7[%swap3A_21, %swap3A_22], %dot_general3A_20 {strides = array<i32>} : memref<256x512xf32, #tpu.memory_space<vmem>>, vector<256x512xf32>,
    return
  }
  func.func @transform_0(%arg0: i32) -> (i32, i32) {
    %c0_i32 = arith.constant 0 : i32
    %c0_i32_0 = arith.constant 0 : i32
    return %arg0, %c0_i32 : i32, i32
  }
  func.func @transform_1(%arg0: i32) -> (i32, i32) {
    %c0_i32 = arith.constant 0 : i32
    %c0_i32_0 = arith.constant 0 : i32
    %c0_i32_1 = arith.constant 0 : i32
    return %c0_i32, %c0_i32_0 : i32, i32
  }
  func.func @transform_2(%arg0: i32) -> (i32, i32) {
    %c0_i32 = arith.constant 0 : i32
    %c0_i32_0 = arith.constant 0 : i32
    %c0_i32_1 = arith.constant 0 : i32
    return %c0_i32, %c0_i32_0 : i32, i32
  }
  func.func @transform_3(%arg0: i32) -> (i32, i32) {
    %c0_i32 = arith.constant 0 : i32
    %c0_i32_0 = arith.constant 0 : i32
    %c0_i32_1 = arith.constant 0 : i32
    return %c0_i32, %c0_i32_0 : i32, i32
  }
  func.func @transform_4(%arg0: i32) -> (i32, i32) {
    %c0_i32 = arith.constant 0 : i32
    %c0_i32_0 = arith.constant 0 : i32
    return %arg0, %c0_i32 : i32, i32
  }
  func.func @transform_5(%arg0: i32) -> (i32, i32) {
    %c0_i32 = arith.constant 0 : i32
    %c0_i32_0 = arith.constant 0 : i32
    return %arg0, %c0_i32 : i32, i32
  }
  func.func @transform_6(%arg0: i32) -> (i32, i32) {
    %c0_i32 = arith.constant 0 : i32
    %c0_i32_0 = arith.constant 0 : i32
    return %arg0, %c0_i32 : i32, i32
  }
}

module attributes {stable_mosaic.version = 14 : i64} {
  func.func @_attn_body(%arg0: i32, %arg1: memref<128x512xf32, #tpu.memory_space<vmem>>, %arg2: memref<2048x512xf32, #tpu.memory_space<vmem>>, %arg3: memref<2048x512xf32, #tpu.memory_space<vmem>>, %arg4: memref<512x512xf32, #tpu.memory_space<vmem>>, %arg5: memref<1x512xf32, #tpu.memory_space<vmem>>, %arg6: memref<128x512xf32, #tpu.memory_space<vmem>>) attributes {dimension_semantics = [#tpu.dimension_semantics<arbitrary>], iteration_bounds = array<i64: 16>, scalar_prefetch = 0 : i64, scratch_operands = 0 : i64, tpu.core_type = #tpu.core_type<tc>, window_params = [{transform_indices = @transform_0, window_bounds = array<i64: 128, 512>}, {transform_indices = @transform_1, window_bounds = array<i64: 2048, 512>}, {transform_indices = @transform_2, window_bounds = array<i64: 2048, 512>}, {pipeline_mode = #tpu.pipeline_mode<synchronous>, transform_indices = @transform_3, window_bounds = array<i64: 512, 512>}, {pipeline_mode = #tpu.pipeline_mode<synchronous>, transform_indices = @transform_4, window_bounds = array<i64: 1, 512>}, {transform_indices = @transform_5, window_bounds = array<i64: 128, 512>}]} {
    %iota3A = tpu.iota {dimensions = array<i32: 0>} : vector<512x8xi32>
    %jit3A = arith.constant 64 : i32
    %div3A = vector.broadcast %jit3A : i32 to vector<512x8xi32>
    %div3A_0 = arith.divsi %iota3A, %div3A : vector<512x8xi32>
    %sign3A = arith.constant 0 : i32
    %sign3A_1 = vector.broadcast %sign3A : i32 to vector<512x8xi32>
    %sign3A_2 = arith.cmpi sgt, %iota3A, %sign3A_1 : vector<512x8xi32>
    %sign3A_3 = arith.extui %sign3A_2 : vector<512x8xi1> to vector<512x8xi32>
    %sign3A_4 = arith.constant 0 : i32
    %sign3A_5 = vector.broadcast %sign3A_4 : i32 to vector<512x8xi32>
    %sign3A_6 = arith.cmpi slt, %iota3A, %sign3A_5 : vector<512x8xi32>
    %sign3A_7 = arith.extui %sign3A_6 : vector<512x8xi1> to vector<512x8xi32>
    %sign3A_8 = arith.subi %sign3A_3, %sign3A_7 : vector<512x8xi32>
    %sign3A_9 = arith.constant 0 : i32
    %sign3A_10 = arith.cmpi sgt, %jit3A, %sign3A_9 : i32
    %sign3A_11 = arith.extui %sign3A_10 : i1 to i32
    %sign3A_12 = arith.constant 0 : i32
    %sign3A_13 = arith.cmpi slt, %jit3A, %sign3A_12 : i32
    %sign3A_14 = arith.extui %sign3A_13 : i1 to i32
    %sign3A_15 = arith.subi %sign3A_11, %sign3A_14 : i32
    %ne3A = vector.broadcast %sign3A_15 : i32 to vector<512x8xi32>
    %ne3A_16 = arith.cmpi ne, %sign3A_8, %ne3A : vector<512x8xi32>
    %rem3A = vector.broadcast %jit3A : i32 to vector<512x8xi32>
    %rem3A_17 = arith.remsi %iota3A, %rem3A : vector<512x8xi32>
    %ne3A_18 = arith.constant 0 : i32
    %ne3A_19 = vector.broadcast %ne3A_18 : i32 to vector<512x8xi32>
    %ne3A_20 = arith.cmpi ne, %rem3A_17, %ne3A_19 : vector<512x8xi32>
    %and3A = arith.andi %ne3A_16, %ne3A_20 : vector<512x8xi1>
    %sub3A = arith.constant 1 : i32
    %sub3A_21 = vector.broadcast %sub3A : i32 to vector<512x8xi32>
    %sub3A_22 = arith.subi %div3A_0, %sub3A_21 : vector<512x8xi32>
    %select_n3A = arith.select %and3A, %sub3A_22, %div3A_0 : vector<512x8xi1>, vector<512x8xi32>
    %iota3A_23 = tpu.iota {dimensions = array<i32: 1>} : vector<512x8xi32>
    %eq3A = arith.cmpi eq, %select_n3A, %iota3A_23 : vector<512x8xi32>
    %convert_element_type3A = arith.extui %eq3A : vector<512x8xi1> to vector<512x8xi32>
    %convert_element_type3A_24 = arith.sitofp %convert_element_type3A : vector<512x8xi32> to vector<512x8xf32>
    %get3A = arith.constant 0 : index
    %get3A_25 = arith.constant 0 : index
    %get3A_26 = vector.load %arg1[%get3A, %get3A_25] : memref<128x512xf32, #tpu.memory_space<vmem>>, vector<128x512xf32>
    %get3A_27 = arith.constant 0 : index
    %get3A_28 = arith.constant 0 : index
    %get3A_29 = vector.load %arg2[%get3A_27, %get3A_28] : memref<2048x512xf32, #tpu.memory_space<vmem>>, vector<2048x512xf32>
    %reshape3A = vector.shape_cast %get3A_29 : vector<2048x512xf32> to vector<128x16x512xf32>
    %broadcast_in_dim3A = vector.shape_cast %get3A_26 : vector<128x512xf32> to vector<128x1x512xf32>
    %mul3A = vector.broadcast %broadcast_in_dim3A : vector<128x1x512xf32> to vector<128x16x512xf32>
    %mul3A_30 = arith.mulf %mul3A, %reshape3A : vector<128x16x512xf32>
    %reshape3A_31 = vector.shape_cast %mul3A_30 : vector<128x16x512xf32> to vector<2048x512xf32>
    %convert_element_type3A_32 = arith.truncf %reshape3A_31 : vector<2048x512xf32> to vector<2048x512xbf16>
    %convert_element_type3A_33 = arith.extf %convert_element_type3A_32 : vector<2048x512xbf16> to vector<2048x512xf32>
    %sub3A_34 = arith.subf %reshape3A_31, %convert_element_type3A_33 : vector<2048x512xf32>
    %dot_general3A = arith.constant dense<0.000000e+00> : vector<2048x8xf32>
    %dot_general3A_35 = tpu.matmul %convert_element_type3A_33, %convert_element_type3A_24, %dot_general3A {dimension_numbers = #tpu.dot_dimension_numbers<[1], [0], [0], [1], [0, 0, 1, 1], [], []>, transpose_lhs_hint = false} : vector<2048x512xf32>, vector<512x8xf32>, vector<2048x8xf32> -> vector<2048x8xf32>
    %dot_general3A_36 = arith.constant dense<0.000000e+00> : vector<2048x8xf32>
    %dot_general3A_37 = tpu.matmul %sub3A_34, %convert_element_type3A_24, %dot_general3A_36 {dimension_numbers = #tpu.dot_dimension_numbers<[1], [0], [0], [1], [0, 0, 1, 1], [], []>, transpose_lhs_hint = false} : vector<2048x512xf32>, vector<512x8xf32>, vector<2048x8xf32> -> vector<2048x8xf32>
    %add3A = arith.addf %dot_general3A_35, %dot_general3A_37 : vector<2048x8xf32>
    %div3A_38 = arith.constant 8.000000e+00 : f32
    %div3A_39 = vector.broadcast %div3A_38 : f32 to vector<2048x8xf32>
    %div3A_40 = arith.divf %add3A, %div3A_39 : vector<2048x8xf32>
    %reshape3A_41 = vector.shape_cast %div3A_40 : vector<2048x8xf32> to vector<128x16x8xf32>
    %reduce_max3A = arith.constant dense<0xFF800000> : vector<128x8xf32>
    %reduce_max3A_42 = vector.multi_reduction <maximumf>, %reshape3A_41, %reduce_max3A [1] : vector<128x16x8xf32> to vector<128x8xf32>
    %broadcast_in_dim3A_43 = vector.shape_cast %reduce_max3A_42 : vector<128x8xf32> to vector<128x1x8xf32>
    %sub3A_44 = vector.broadcast %broadcast_in_dim3A_43 : vector<128x1x8xf32> to vector<128x16x8xf32>
    %sub3A_45 = arith.subf %reshape3A_41, %sub3A_44 : vector<128x16x8xf32>
    %exp3A = math.exp %sub3A_45 : vector<128x16x8xf32>
    %reduce_sum3A = arith.constant dense<0.000000e+00> : vector<128x8xf32>
    %reduce_sum3A_46 = vector.multi_reduction <add>, %exp3A, %reduce_sum3A [1] : vector<128x16x8xf32> to vector<128x8xf32>
    %broadcast_in_dim3A_47 = vector.shape_cast %reduce_sum3A_46 : vector<128x8xf32> to vector<128x1x8xf32>
    %div3A_48 = vector.broadcast %broadcast_in_dim3A_47 : vector<128x1x8xf32> to vector<128x16x8xf32>
    %div3A_49 = arith.divf %exp3A, %div3A_48 : vector<128x16x8xf32>
    %reshape3A_50 = vector.shape_cast %div3A_49 : vector<128x16x8xf32> to vector<2048x8xf32>
    %convert_element_type3A_51 = arith.truncf %reshape3A_50 : vector<2048x8xf32> to vector<2048x8xbf16>
    %convert_element_type3A_52 = arith.extf %convert_element_type3A_51 : vector<2048x8xbf16> to vector<2048x8xf32>
    %sub3A_53 = arith.subf %reshape3A_50, %convert_element_type3A_52 : vector<2048x8xf32>
    %dot_general3A_54 = arith.constant dense<0.000000e+00> : vector<2048x512xf32>
    %dot_general3A_55 = tpu.matmul %convert_element_type3A_52, %convert_element_type3A_24, %dot_general3A_54 {dimension_numbers = #tpu.dot_dimension_numbers<[1], [1], [0], [0], [0, 0, 1, 0], [], []>, transpose_lhs_hint = false} : vector<2048x8xf32>, vector<512x8xf32>, vector<2048x512xf32> -> vector<2048x512xf32>
    %dot_general3A_56 = arith.constant dense<0.000000e+00> : vector<2048x512xf32>
    %dot_general3A_57 = tpu.matmul %sub3A_53, %convert_element_type3A_24, %dot_general3A_56 {dimension_numbers = #tpu.dot_dimension_numbers<[1], [1], [0], [0], [0, 0, 1, 0], [], []>, transpose_lhs_hint = false} : vector<2048x8xf32>, vector<512x8xf32>, vector<2048x512xf32> -> vector<2048x512xf32>
    %add3A_58 = arith.addf %dot_general3A_55, %dot_general3A_57 : vector<2048x512xf32>
    %get3A_59 = arith.constant 0 : index
    %get3A_60 = arith.constant 0 : index
    %get3A_61 = vector.load %arg3[%get3A_59, %get3A_60] : memref<2048x512xf32, #tpu.memory_space<vmem>>, vector<2048x512xf32>
    %mul3A_62 = arith.mulf %add3A_58, %get3A_61 : vector<2048x512xf32>
    %reshape3A_63 = vector.shape_cast %mul3A_62 : vector<2048x512xf32> to vector<128x16x512xf32>
    %reduce_sum3A_64 = arith.constant dense<0.000000e+00> : vector<128x512xf32>
    %reduce_sum3A_65 = vector.multi_reduction <add>, %reshape3A_63, %reduce_sum3A_64 [1] : vector<128x16x512xf32> to vector<128x512xf32>
    %get3A_66 = arith.constant 0 : index
    %get3A_67 = arith.constant 0 : index
    %get3A_68 = vector.load %arg4[%get3A_66, %get3A_67] : memref<512x512xf32, #tpu.memory_space<vmem>>, vector<512x512xf32>
    %dot_general3A_69 = arith.constant dense<0.000000e+00> : vector<128x512xf32>
    %dot_general3A_70 = tpu.matmul %reduce_sum3A_65, %get3A_68, %dot_general3A_69 {dimension_numbers = #tpu.dot_dimension_numbers<[1], [1], [0], [0], [0, 0, 1, 0], [], []>, transpose_lhs_hint = false} : vector<128x512xf32>, vector<512x512xf32>, vector<128x512xf32> -> vector<128x512xf32>
    %get3A_71 = arith.constant 0 : index
    %get3A_72 = arith.constant 0 : index
    %get3A_73 = vector.load %arg5[%get3A_71, %get3A_72] : memref<1x512xf32, #tpu.memory_space<vmem>>, vector<1x512xf32>
    %add3A_74 = vector.broadcast %get3A_73 : vector<1x512xf32> to vector<128x512xf32>
    %add3A_75 = arith.addf %dot_general3A_70, %add3A_74 : vector<128x512xf32>
    %swap3A = arith.constant 0 : index
    %swap3A_76 = arith.constant 0 : index
    %swap3A_77 = vector.load %arg6[%swap3A, %swap3A_76] : memref<128x512xf32, #tpu.memory_space<vmem>>, vector<128x512xf32>
    tpu.vector_store %arg6[%swap3A, %swap3A_76], %add3A_75 {strides = array<i32>} : memref<128x512xf32, #tpu.memory_space<vmem>>, vector<128x512xf32>,
    return
  }
  func.func @transform_0(%arg0: i32) -> (i32, i32) {
    %add3A = arith.constant 16 : i32
    %add3A_0 = arith.addi %arg0, %add3A : i32
    %c0_i32 = arith.constant 0 : i32
    %c0_i32_1 = arith.constant 0 : i32
    return %add3A_0, %c0_i32 : i32, i32
  }
  func.func @transform_1(%arg0: i32) -> (i32, i32) {
    %c0_i32 = arith.constant 0 : i32
    %c0_i32_0 = arith.constant 0 : i32
    return %arg0, %c0_i32 : i32, i32
  }
  func.func @transform_2(%arg0: i32) -> (i32, i32) {
    %c0_i32 = arith.constant 0 : i32
    %c0_i32_0 = arith.constant 0 : i32
    return %arg0, %c0_i32 : i32, i32
  }
  func.func @transform_3(%arg0: i32) -> (i32, i32) {
    %c0_i32 = arith.constant 0 : i32
    %c0_i32_0 = arith.constant 0 : i32
    %c0_i32_1 = arith.constant 0 : i32
    return %c0_i32, %c0_i32_0 : i32, i32
  }
  func.func @transform_4(%arg0: i32) -> (i32, i32) {
    %c0_i32 = arith.constant 0 : i32
    %c0_i32_0 = arith.constant 0 : i32
    %c0_i32_1 = arith.constant 0 : i32
    return %c0_i32, %c0_i32_0 : i32, i32
  }
  func.func @transform_5(%arg0: i32) -> (i32, i32) {
    %c0_i32 = arith.constant 0 : i32
    %c0_i32_0 = arith.constant 0 : i32
    return %arg0, %c0_i32 : i32, i32
  }
}

module attributes {stable_mosaic.version = 14 : i64} {
  func.func @_knn_body(%arg0: i32, %arg1: memref<256x8xf32, #tpu.memory_space<vmem>>, %arg2: memref<8x4096xf32, #tpu.memory_space<vmem>>, %arg3: memref<256x16xi32, #tpu.memory_space<vmem>>) attributes {dimension_semantics = [#tpu.dimension_semantics<arbitrary>], iteration_bounds = array<i64: 8>, scalar_prefetch = 0 : i64, scratch_operands = 0 : i64, tpu.core_type = #tpu.core_type<tc>, window_params = [{transform_indices = @transform_0, window_bounds = array<i64: 256, 8>}, {pipeline_mode = #tpu.pipeline_mode<synchronous>, transform_indices = @transform_1, window_bounds = array<i64: 8, 4096>}, {transform_indices = @transform_2, window_bounds = array<i64: 256, 16>}]} {
    %get3A = arith.constant 0 : index
    %get3A_0 = arith.constant 0 : index
    %get3A_1 = vector.load %arg1[%get3A, %get3A_0] : memref<256x8xf32, #tpu.memory_space<vmem>>, vector<256x8xf32>
    %get3A_2 = arith.constant 0 : index
    %get3A_3 = arith.constant 0 : index
    %get3A_4 = vector.load %arg2[%get3A_2, %get3A_3] : memref<8x4096xf32, #tpu.memory_space<vmem>>, vector<8x4096xf32>
    %slice3A = vector.extract_strided_slice %get3A_1 {offsets = [0, 0], sizes = [256, 1], strides = [1, 1]} : vector<256x8xf32> to vector<256x1xf32>
    %slice3A_5 = vector.extract_strided_slice %get3A_1 {offsets = [0, 0], sizes = [256, 1], strides = [1, 1]} : vector<256x8xf32> to vector<256x1xf32>
    %mul3A = arith.mulf %slice3A, %slice3A_5 : vector<256x1xf32>
    %slice3A_6 = vector.extract_strided_slice %get3A_1 {offsets = [0, 1], sizes = [256, 1], strides = [1, 1]} : vector<256x8xf32> to vector<256x1xf32>
    %slice3A_7 = vector.extract_strided_slice %get3A_1 {offsets = [0, 1], sizes = [256, 1], strides = [1, 1]} : vector<256x8xf32> to vector<256x1xf32>
    %mul3A_8 = arith.mulf %slice3A_6, %slice3A_7 : vector<256x1xf32>
    %slice3A_9 = vector.extract_strided_slice %get3A_1 {offsets = [0, 2], sizes = [256, 1], strides = [1, 1]} : vector<256x8xf32> to vector<256x1xf32>
    %slice3A_10 = vector.extract_strided_slice %get3A_1 {offsets = [0, 2], sizes = [256, 1], strides = [1, 1]} : vector<256x8xf32> to vector<256x1xf32>
    %mul3A_11 = arith.mulf %slice3A_9, %slice3A_10 : vector<256x1xf32>
    %add3A = arith.addf %mul3A, %mul3A_11 : vector<256x1xf32>
    %add3A_12 = arith.addf %add3A, %mul3A_8 : vector<256x1xf32>
    %slice3A_13 = vector.extract_strided_slice %get3A_4 {offsets = [0, 0], sizes = [1, 4096], strides = [1, 1]} : vector<8x4096xf32> to vector<1x4096xf32>
    %slice3A_14 = vector.extract_strided_slice %get3A_4 {offsets = [0, 0], sizes = [1, 4096], strides = [1, 1]} : vector<8x4096xf32> to vector<1x4096xf32>
    %mul3A_15 = arith.mulf %slice3A_13, %slice3A_14 : vector<1x4096xf32>
    %slice3A_16 = vector.extract_strided_slice %get3A_4 {offsets = [1, 0], sizes = [1, 4096], strides = [1, 1]} : vector<8x4096xf32> to vector<1x4096xf32>
    %slice3A_17 = vector.extract_strided_slice %get3A_4 {offsets = [1, 0], sizes = [1, 4096], strides = [1, 1]} : vector<8x4096xf32> to vector<1x4096xf32>
    %mul3A_18 = arith.mulf %slice3A_16, %slice3A_17 : vector<1x4096xf32>
    %slice3A_19 = vector.extract_strided_slice %get3A_4 {offsets = [2, 0], sizes = [1, 4096], strides = [1, 1]} : vector<8x4096xf32> to vector<1x4096xf32>
    %slice3A_20 = vector.extract_strided_slice %get3A_4 {offsets = [2, 0], sizes = [1, 4096], strides = [1, 1]} : vector<8x4096xf32> to vector<1x4096xf32>
    %mul3A_21 = arith.mulf %slice3A_19, %slice3A_20 : vector<1x4096xf32>
    %add3A_22 = arith.addf %mul3A_15, %mul3A_21 : vector<1x4096xf32>
    %add3A_23 = arith.addf %add3A_22, %mul3A_18 : vector<1x4096xf32>
    %dot_general3A = arith.constant dense<0.000000e+00> : vector<256x4096xf32>
    %dot_general3A_24 = tpu.matmul %get3A_1, %get3A_4, %dot_general3A {dimension_numbers = #tpu.dot_dimension_numbers<[1], [0], [0], [1], [0, 0, 1, 1], [], []>, transpose_lhs_hint = false} : vector<256x8xf32>, vector<8x4096xf32>, vector<256x4096xf32> -> vector<256x4096xf32>
    %add3A_25 = vector.broadcast %add3A_12 : vector<256x1xf32> to vector<256x4096xf32>
    %add3A_26 = vector.broadcast %add3A_23 : vector<1x4096xf32> to vector<256x4096xf32>
    %add3A_27 = arith.addf %add3A_25, %add3A_26 : vector<256x4096xf32>
    %mul3A_28 = arith.constant 2.000000e+00 : f32
    %mul3A_29 = vector.broadcast %mul3A_28 : f32 to vector<256x4096xf32>
    %mul3A_30 = arith.mulf %dot_general3A_24, %mul3A_29 : vector<256x4096xf32>
    %sub3A = arith.subf %add3A_27, %mul3A_30 : vector<256x4096xf32>
    %iota3A = tpu.iota {dimensions = array<i32: 1>} : vector<256x4096xi32>
    %reduce_min3A = arith.constant dense<0x7F800000> : vector<256xf32>
    %reduce_min3A_31 = vector.multi_reduction <minimumf>, %sub3A, %reduce_min3A [1] : vector<256x4096xf32> to vector<256xf32>
    %broadcast_in_dim3A = vector.shape_cast %reduce_min3A_31 : vector<256xf32> to vector<256x1xf32>
    %eq3A = vector.broadcast %broadcast_in_dim3A : vector<256x1xf32> to vector<256x4096xf32>
    %eq3A_32 = arith.cmpf oeq, %sub3A, %eq3A : vector<256x4096xf32>
    %jit3A = arith.constant 4096 : i32
    %broadcast_in_dim3A_33 = vector.broadcast %jit3A : i32 to vector<256x4096xi32>
    %select_n3A = arith.select %eq3A_32, %iota3A, %broadcast_in_dim3A_33 : vector<256x4096xi1>, vector<256x4096xi32>
    %reduce_min3A_34 = arith.constant dense<2147483647> : vector<256xi32>
    %reduce_min3A_35 = vector.multi_reduction <minsi>, %select_n3A, %reduce_min3A_34 [1] : vector<256x4096xi32> to vector<256xi32>
    %broadcast_in_dim3A_36 = vector.shape_cast %reduce_min3A_35 : vector<256xi32> to vector<256x1xi32>
    %eq3A_37 = vector.broadcast %broadcast_in_dim3A_36 : vector<256x1xi32> to vector<256x4096xi32>
    %eq3A_38 = arith.cmpi eq, %iota3A, %eq3A_37 : vector<256x4096xi32>
    %jit3A_39 = arith.constant 0x7F800000 : f32
    %broadcast_in_dim3A_40 = vector.broadcast %jit3A_39 : f32 to vector<256x4096xf32>
    %select_n3A_41 = arith.select %eq3A_38, %broadcast_in_dim3A_40, %sub3A : vector<256x4096xi1>, vector<256x4096xf32>
    %reduce_min3A_42 = arith.constant dense<0x7F800000> : vector<256xf32>
    %reduce_min3A_43 = vector.multi_reduction <minimumf>, %select_n3A_41, %reduce_min3A_42 [1] : vector<256x4096xf32> to vector<256xf32>
    %broadcast_in_dim3A_44 = vector.shape_cast %reduce_min3A_43 : vector<256xf32> to vector<256x1xf32>
    %eq3A_45 = vector.broadcast %broadcast_in_dim3A_44 : vector<256x1xf32> to vector<256x4096xf32>
    %eq3A_46 = arith.cmpf oeq, %select_n3A_41, %eq3A_45 : vector<256x4096xf32>
    %jit3A_47 = arith.constant 4096 : i32
    %broadcast_in_dim3A_48 = vector.broadcast %jit3A_47 : i32 to vector<256x4096xi32>
    %select_n3A_49 = arith.select %eq3A_46, %iota3A, %broadcast_in_dim3A_48 : vector<256x4096xi1>, vector<256x4096xi32>
    %reduce_min3A_50 = arith.constant dense<2147483647> : vector<256xi32>
    %reduce_min3A_51 = vector.multi_reduction <minsi>, %select_n3A_49, %reduce_min3A_50 [1] : vector<256x4096xi32> to vector<256xi32>
    %broadcast_in_dim3A_52 = vector.shape_cast %reduce_min3A_51 : vector<256xi32> to vector<256x1xi32>
    %eq3A_53 = vector.broadcast %broadcast_in_dim3A_52 : vector<256x1xi32> to vector<256x4096xi32>
    %eq3A_54 = arith.cmpi eq, %iota3A, %eq3A_53 : vector<256x4096xi32>
    %jit3A_55 = arith.constant 0x7F800000 : f32
    %broadcast_in_dim3A_56 = vector.broadcast %jit3A_55 : f32 to vector<256x4096xf32>
    %select_n3A_57 = arith.select %eq3A_54, %broadcast_in_dim3A_56, %select_n3A_41 : vector<256x4096xi1>, vector<256x4096xf32>
    %reduce_min3A_58 = arith.constant dense<0x7F800000> : vector<256xf32>
    %reduce_min3A_59 = vector.multi_reduction <minimumf>, %select_n3A_57, %reduce_min3A_58 [1] : vector<256x4096xf32> to vector<256xf32>
    %broadcast_in_dim3A_60 = vector.shape_cast %reduce_min3A_59 : vector<256xf32> to vector<256x1xf32>
    %eq3A_61 = vector.broadcast %broadcast_in_dim3A_60 : vector<256x1xf32> to vector<256x4096xf32>
    %eq3A_62 = arith.cmpf oeq, %select_n3A_57, %eq3A_61 : vector<256x4096xf32>
    %jit3A_63 = arith.constant 4096 : i32
    %broadcast_in_dim3A_64 = vector.broadcast %jit3A_63 : i32 to vector<256x4096xi32>
    %select_n3A_65 = arith.select %eq3A_62, %iota3A, %broadcast_in_dim3A_64 : vector<256x4096xi1>, vector<256x4096xi32>
    %reduce_min3A_66 = arith.constant dense<2147483647> : vector<256xi32>
    %reduce_min3A_67 = vector.multi_reduction <minsi>, %select_n3A_65, %reduce_min3A_66 [1] : vector<256x4096xi32> to vector<256xi32>
    %broadcast_in_dim3A_68 = vector.shape_cast %reduce_min3A_67 : vector<256xi32> to vector<256x1xi32>
    %eq3A_69 = vector.broadcast %broadcast_in_dim3A_68 : vector<256x1xi32> to vector<256x4096xi32>
    %eq3A_70 = arith.cmpi eq, %iota3A, %eq3A_69 : vector<256x4096xi32>
    %jit3A_71 = arith.constant 0x7F800000 : f32
    %broadcast_in_dim3A_72 = vector.broadcast %jit3A_71 : f32 to vector<256x4096xf32>
    %select_n3A_73 = arith.select %eq3A_70, %broadcast_in_dim3A_72, %select_n3A_57 : vector<256x4096xi1>, vector<256x4096xf32>
    %reduce_min3A_74 = arith.constant dense<0x7F800000> : vector<256xf32>
    %reduce_min3A_75 = vector.multi_reduction <minimumf>, %select_n3A_73, %reduce_min3A_74 [1] : vector<256x4096xf32> to vector<256xf32>
    %broadcast_in_dim3A_76 = vector.shape_cast %reduce_min3A_75 : vector<256xf32> to vector<256x1xf32>
    %eq3A_77 = vector.broadcast %broadcast_in_dim3A_76 : vector<256x1xf32> to vector<256x4096xf32>
    %eq3A_78 = arith.cmpf oeq, %select_n3A_73, %eq3A_77 : vector<256x4096xf32>
    %jit3A_79 = arith.constant 4096 : i32
    %broadcast_in_dim3A_80 = vector.broadcast %jit3A_79 : i32 to vector<256x4096xi32>
    %select_n3A_81 = arith.select %eq3A_78, %iota3A, %broadcast_in_dim3A_80 : vector<256x4096xi1>, vector<256x4096xi32>
    %reduce_min3A_82 = arith.constant dense<2147483647> : vector<256xi32>
    %reduce_min3A_83 = vector.multi_reduction <minsi>, %select_n3A_81, %reduce_min3A_82 [1] : vector<256x4096xi32> to vector<256xi32>
    %broadcast_in_dim3A_84 = vector.shape_cast %reduce_min3A_83 : vector<256xi32> to vector<256x1xi32>
    %eq3A_85 = vector.broadcast %broadcast_in_dim3A_84 : vector<256x1xi32> to vector<256x4096xi32>
    %eq3A_86 = arith.cmpi eq, %iota3A, %eq3A_85 : vector<256x4096xi32>
    %jit3A_87 = arith.constant 0x7F800000 : f32
    %broadcast_in_dim3A_88 = vector.broadcast %jit3A_87 : f32 to vector<256x4096xf32>
    %select_n3A_89 = arith.select %eq3A_86, %broadcast_in_dim3A_88, %select_n3A_73 : vector<256x4096xi1>, vector<256x4096xf32>
    %reduce_min3A_90 = arith.constant dense<0x7F800000> : vector<256xf32>
    %reduce_min3A_91 = vector.multi_reduction <minimumf>, %select_n3A_89, %reduce_min3A_90 [1] : vector<256x4096xf32> to vector<256xf32>
    %broadcast_in_dim3A_92 = vector.shape_cast %reduce_min3A_91 : vector<256xf32> to vector<256x1xf32>
    %eq3A_93 = vector.broadcast %broadcast_in_dim3A_92 : vector<256x1xf32> to vector<256x4096xf32>
    %eq3A_94 = arith.cmpf oeq, %select_n3A_89, %eq3A_93 : vector<256x4096xf32>
    %jit3A_95 = arith.constant 4096 : i32
    %broadcast_in_dim3A_96 = vector.broadcast %jit3A_95 : i32 to vector<256x4096xi32>
    %select_n3A_97 = arith.select %eq3A_94, %iota3A, %broadcast_in_dim3A_96 : vector<256x4096xi1>, vector<256x4096xi32>
    %reduce_min3A_98 = arith.constant dense<2147483647> : vector<256xi32>
    %reduce_min3A_99 = vector.multi_reduction <minsi>, %select_n3A_97, %reduce_min3A_98 [1] : vector<256x4096xi32> to vector<256xi32>
    %broadcast_in_dim3A_100 = vector.shape_cast %reduce_min3A_99 : vector<256xi32> to vector<256x1xi32>
    %eq3A_101 = vector.broadcast %broadcast_in_dim3A_100 : vector<256x1xi32> to vector<256x4096xi32>
    %eq3A_102 = arith.cmpi eq, %iota3A, %eq3A_101 : vector<256x4096xi32>
    %jit3A_103 = arith.constant 0x7F800000 : f32
    %broadcast_in_dim3A_104 = vector.broadcast %jit3A_103 : f32 to vector<256x4096xf32>
    %select_n3A_105 = arith.select %eq3A_102, %broadcast_in_dim3A_104, %select_n3A_89 : vector<256x4096xi1>, vector<256x4096xf32>
    %reduce_min3A_106 = arith.constant dense<0x7F800000> : vector<256xf32>
    %reduce_min3A_107 = vector.multi_reduction <minimumf>, %select_n3A_105, %reduce_min3A_106 [1] : vector<256x4096xf32> to vector<256xf32>
    %broadcast_in_dim3A_108 = vector.shape_cast %reduce_min3A_107 : vector<256xf32> to vector<256x1xf32>
    %eq3A_109 = vector.broadcast %broadcast_in_dim3A_108 : vector<256x1xf32> to vector<256x4096xf32>
    %eq3A_110 = arith.cmpf oeq, %select_n3A_105, %eq3A_109 : vector<256x4096xf32>
    %jit3A_111 = arith.constant 4096 : i32
    %broadcast_in_dim3A_112 = vector.broadcast %jit3A_111 : i32 to vector<256x4096xi32>
    %select_n3A_113 = arith.select %eq3A_110, %iota3A, %broadcast_in_dim3A_112 : vector<256x4096xi1>, vector<256x4096xi32>
    %reduce_min3A_114 = arith.constant dense<2147483647> : vector<256xi32>
    %reduce_min3A_115 = vector.multi_reduction <minsi>, %select_n3A_113, %reduce_min3A_114 [1] : vector<256x4096xi32> to vector<256xi32>
    %broadcast_in_dim3A_116 = vector.shape_cast %reduce_min3A_115 : vector<256xi32> to vector<256x1xi32>
    %eq3A_117 = vector.broadcast %broadcast_in_dim3A_116 : vector<256x1xi32> to vector<256x4096xi32>
    %eq3A_118 = arith.cmpi eq, %iota3A, %eq3A_117 : vector<256x4096xi32>
    %jit3A_119 = arith.constant 0x7F800000 : f32
    %broadcast_in_dim3A_120 = vector.broadcast %jit3A_119 : f32 to vector<256x4096xf32>
    %select_n3A_121 = arith.select %eq3A_118, %broadcast_in_dim3A_120, %select_n3A_105 : vector<256x4096xi1>, vector<256x4096xf32>
    %reduce_min3A_122 = arith.constant dense<0x7F800000> : vector<256xf32>
    %reduce_min3A_123 = vector.multi_reduction <minimumf>, %select_n3A_121, %reduce_min3A_122 [1] : vector<256x4096xf32> to vector<256xf32>
    %broadcast_in_dim3A_124 = vector.shape_cast %reduce_min3A_123 : vector<256xf32> to vector<256x1xf32>
    %eq3A_125 = vector.broadcast %broadcast_in_dim3A_124 : vector<256x1xf32> to vector<256x4096xf32>
    %eq3A_126 = arith.cmpf oeq, %select_n3A_121, %eq3A_125 : vector<256x4096xf32>
    %jit3A_127 = arith.constant 4096 : i32
    %broadcast_in_dim3A_128 = vector.broadcast %jit3A_127 : i32 to vector<256x4096xi32>
    %select_n3A_129 = arith.select %eq3A_126, %iota3A, %broadcast_in_dim3A_128 : vector<256x4096xi1>, vector<256x4096xi32>
    %reduce_min3A_130 = arith.constant dense<2147483647> : vector<256xi32>
    %reduce_min3A_131 = vector.multi_reduction <minsi>, %select_n3A_129, %reduce_min3A_130 [1] : vector<256x4096xi32> to vector<256xi32>
    %broadcast_in_dim3A_132 = vector.shape_cast %reduce_min3A_131 : vector<256xi32> to vector<256x1xi32>
    %eq3A_133 = vector.broadcast %broadcast_in_dim3A_132 : vector<256x1xi32> to vector<256x4096xi32>
    %eq3A_134 = arith.cmpi eq, %iota3A, %eq3A_133 : vector<256x4096xi32>
    %jit3A_135 = arith.constant 0x7F800000 : f32
    %broadcast_in_dim3A_136 = vector.broadcast %jit3A_135 : f32 to vector<256x4096xf32>
    %select_n3A_137 = arith.select %eq3A_134, %broadcast_in_dim3A_136, %select_n3A_121 : vector<256x4096xi1>, vector<256x4096xf32>
    %reduce_min3A_138 = arith.constant dense<0x7F800000> : vector<256xf32>
    %reduce_min3A_139 = vector.multi_reduction <minimumf>, %select_n3A_137, %reduce_min3A_138 [1] : vector<256x4096xf32> to vector<256xf32>
    %broadcast_in_dim3A_140 = vector.shape_cast %reduce_min3A_139 : vector<256xf32> to vector<256x1xf32>
    %eq3A_141 = vector.broadcast %broadcast_in_dim3A_140 : vector<256x1xf32> to vector<256x4096xf32>
    %eq3A_142 = arith.cmpf oeq, %select_n3A_137, %eq3A_141 : vector<256x4096xf32>
    %jit3A_143 = arith.constant 4096 : i32
    %broadcast_in_dim3A_144 = vector.broadcast %jit3A_143 : i32 to vector<256x4096xi32>
    %select_n3A_145 = arith.select %eq3A_142, %iota3A, %broadcast_in_dim3A_144 : vector<256x4096xi1>, vector<256x4096xi32>
    %reduce_min3A_146 = arith.constant dense<2147483647> : vector<256xi32>
    %reduce_min3A_147 = vector.multi_reduction <minsi>, %select_n3A_145, %reduce_min3A_146 [1] : vector<256x4096xi32> to vector<256xi32>
    %broadcast_in_dim3A_148 = vector.shape_cast %reduce_min3A_147 : vector<256xi32> to vector<256x1xi32>
    %eq3A_149 = vector.broadcast %broadcast_in_dim3A_148 : vector<256x1xi32> to vector<256x4096xi32>
    %eq3A_150 = arith.cmpi eq, %iota3A, %eq3A_149 : vector<256x4096xi32>
    %jit3A_151 = arith.constant 0x7F800000 : f32
    %broadcast_in_dim3A_152 = vector.broadcast %jit3A_151 : f32 to vector<256x4096xf32>
    %select_n3A_153 = arith.select %eq3A_150, %broadcast_in_dim3A_152, %select_n3A_137 : vector<256x4096xi1>, vector<256x4096xf32>
    %reduce_min3A_154 = arith.constant dense<0x7F800000> : vector<256xf32>
    %reduce_min3A_155 = vector.multi_reduction <minimumf>, %select_n3A_153, %reduce_min3A_154 [1] : vector<256x4096xf32> to vector<256xf32>
    %broadcast_in_dim3A_156 = vector.shape_cast %reduce_min3A_155 : vector<256xf32> to vector<256x1xf32>
    %eq3A_157 = vector.broadcast %broadcast_in_dim3A_156 : vector<256x1xf32> to vector<256x4096xf32>
    %eq3A_158 = arith.cmpf oeq, %select_n3A_153, %eq3A_157 : vector<256x4096xf32>
    %jit3A_159 = arith.constant 4096 : i32
    %broadcast_in_dim3A_160 = vector.broadcast %jit3A_159 : i32 to vector<256x4096xi32>
    %select_n3A_161 = arith.select %eq3A_158, %iota3A, %broadcast_in_dim3A_160 : vector<256x4096xi1>, vector<256x4096xi32>
    %reduce_min3A_162 = arith.constant dense<2147483647> : vector<256xi32>
    %reduce_min3A_163 = vector.multi_reduction <minsi>, %select_n3A_161, %reduce_min3A_162 [1] : vector<256x4096xi32> to vector<256xi32>
    %broadcast_in_dim3A_164 = vector.shape_cast %reduce_min3A_163 : vector<256xi32> to vector<256x1xi32>
    %eq3A_165 = vector.broadcast %broadcast_in_dim3A_164 : vector<256x1xi32> to vector<256x4096xi32>
    %eq3A_166 = arith.cmpi eq, %iota3A, %eq3A_165 : vector<256x4096xi32>
    %jit3A_167 = arith.constant 0x7F800000 : f32
    %broadcast_in_dim3A_168 = vector.broadcast %jit3A_167 : f32 to vector<256x4096xf32>
    %select_n3A_169 = arith.select %eq3A_166, %broadcast_in_dim3A_168, %select_n3A_153 : vector<256x4096xi1>, vector<256x4096xf32>
    %reduce_min3A_170 = arith.constant dense<0x7F800000> : vector<256xf32>
    %reduce_min3A_171 = vector.multi_reduction <minimumf>, %select_n3A_169, %reduce_min3A_170 [1] : vector<256x4096xf32> to vector<256xf32>
    %broadcast_in_dim3A_172 = vector.shape_cast %reduce_min3A_171 : vector<256xf32> to vector<256x1xf32>
    %eq3A_173 = vector.broadcast %broadcast_in_dim3A_172 : vector<256x1xf32> to vector<256x4096xf32>
    %eq3A_174 = arith.cmpf oeq, %select_n3A_169, %eq3A_173 : vector<256x4096xf32>
    %jit3A_175 = arith.constant 4096 : i32
    %broadcast_in_dim3A_176 = vector.broadcast %jit3A_175 : i32 to vector<256x4096xi32>
    %select_n3A_177 = arith.select %eq3A_174, %iota3A, %broadcast_in_dim3A_176 : vector<256x4096xi1>, vector<256x4096xi32>
    %reduce_min3A_178 = arith.constant dense<2147483647> : vector<256xi32>
    %reduce_min3A_179 = vector.multi_reduction <minsi>, %select_n3A_177, %reduce_min3A_178 [1] : vector<256x4096xi32> to vector<256xi32>
    %broadcast_in_dim3A_180 = vector.shape_cast %reduce_min3A_179 : vector<256xi32> to vector<256x1xi32>
    %eq3A_181 = vector.broadcast %broadcast_in_dim3A_180 : vector<256x1xi32> to vector<256x4096xi32>
    %eq3A_182 = arith.cmpi eq, %iota3A, %eq3A_181 : vector<256x4096xi32>
    %jit3A_183 = arith.constant 0x7F800000 : f32
    %broadcast_in_dim3A_184 = vector.broadcast %jit3A_183 : f32 to vector<256x4096xf32>
    %select_n3A_185 = arith.select %eq3A_182, %broadcast_in_dim3A_184, %select_n3A_169 : vector<256x4096xi1>, vector<256x4096xf32>
    %reduce_min3A_186 = arith.constant dense<0x7F800000> : vector<256xf32>
    %reduce_min3A_187 = vector.multi_reduction <minimumf>, %select_n3A_185, %reduce_min3A_186 [1] : vector<256x4096xf32> to vector<256xf32>
    %broadcast_in_dim3A_188 = vector.shape_cast %reduce_min3A_187 : vector<256xf32> to vector<256x1xf32>
    %eq3A_189 = vector.broadcast %broadcast_in_dim3A_188 : vector<256x1xf32> to vector<256x4096xf32>
    %eq3A_190 = arith.cmpf oeq, %select_n3A_185, %eq3A_189 : vector<256x4096xf32>
    %jit3A_191 = arith.constant 4096 : i32
    %broadcast_in_dim3A_192 = vector.broadcast %jit3A_191 : i32 to vector<256x4096xi32>
    %select_n3A_193 = arith.select %eq3A_190, %iota3A, %broadcast_in_dim3A_192 : vector<256x4096xi1>, vector<256x4096xi32>
    %reduce_min3A_194 = arith.constant dense<2147483647> : vector<256xi32>
    %reduce_min3A_195 = vector.multi_reduction <minsi>, %select_n3A_193, %reduce_min3A_194 [1] : vector<256x4096xi32> to vector<256xi32>
    %broadcast_in_dim3A_196 = vector.shape_cast %reduce_min3A_195 : vector<256xi32> to vector<256x1xi32>
    %eq3A_197 = vector.broadcast %broadcast_in_dim3A_196 : vector<256x1xi32> to vector<256x4096xi32>
    %eq3A_198 = arith.cmpi eq, %iota3A, %eq3A_197 : vector<256x4096xi32>
    %jit3A_199 = arith.constant 0x7F800000 : f32
    %broadcast_in_dim3A_200 = vector.broadcast %jit3A_199 : f32 to vector<256x4096xf32>
    %select_n3A_201 = arith.select %eq3A_198, %broadcast_in_dim3A_200, %select_n3A_185 : vector<256x4096xi1>, vector<256x4096xf32>
    %reduce_min3A_202 = arith.constant dense<0x7F800000> : vector<256xf32>
    %reduce_min3A_203 = vector.multi_reduction <minimumf>, %select_n3A_201, %reduce_min3A_202 [1] : vector<256x4096xf32> to vector<256xf32>
    %broadcast_in_dim3A_204 = vector.shape_cast %reduce_min3A_203 : vector<256xf32> to vector<256x1xf32>
    %eq3A_205 = vector.broadcast %broadcast_in_dim3A_204 : vector<256x1xf32> to vector<256x4096xf32>
    %eq3A_206 = arith.cmpf oeq, %select_n3A_201, %eq3A_205 : vector<256x4096xf32>
    %jit3A_207 = arith.constant 4096 : i32
    %broadcast_in_dim3A_208 = vector.broadcast %jit3A_207 : i32 to vector<256x4096xi32>
    %select_n3A_209 = arith.select %eq3A_206, %iota3A, %broadcast_in_dim3A_208 : vector<256x4096xi1>, vector<256x4096xi32>
    %reduce_min3A_210 = arith.constant dense<2147483647> : vector<256xi32>
    %reduce_min3A_211 = vector.multi_reduction <minsi>, %select_n3A_209, %reduce_min3A_210 [1] : vector<256x4096xi32> to vector<256xi32>
    %broadcast_in_dim3A_212 = vector.shape_cast %reduce_min3A_211 : vector<256xi32> to vector<256x1xi32>
    %eq3A_213 = vector.broadcast %broadcast_in_dim3A_212 : vector<256x1xi32> to vector<256x4096xi32>
    %eq3A_214 = arith.cmpi eq, %iota3A, %eq3A_213 : vector<256x4096xi32>
    %jit3A_215 = arith.constant 0x7F800000 : f32
    %broadcast_in_dim3A_216 = vector.broadcast %jit3A_215 : f32 to vector<256x4096xf32>
    %select_n3A_217 = arith.select %eq3A_214, %broadcast_in_dim3A_216, %select_n3A_201 : vector<256x4096xi1>, vector<256x4096xf32>
    %reduce_min3A_218 = arith.constant dense<0x7F800000> : vector<256xf32>
    %reduce_min3A_219 = vector.multi_reduction <minimumf>, %select_n3A_217, %reduce_min3A_218 [1] : vector<256x4096xf32> to vector<256xf32>
    %broadcast_in_dim3A_220 = vector.shape_cast %reduce_min3A_219 : vector<256xf32> to vector<256x1xf32>
    %eq3A_221 = vector.broadcast %broadcast_in_dim3A_220 : vector<256x1xf32> to vector<256x4096xf32>
    %eq3A_222 = arith.cmpf oeq, %select_n3A_217, %eq3A_221 : vector<256x4096xf32>
    %jit3A_223 = arith.constant 4096 : i32
    %broadcast_in_dim3A_224 = vector.broadcast %jit3A_223 : i32 to vector<256x4096xi32>
    %select_n3A_225 = arith.select %eq3A_222, %iota3A, %broadcast_in_dim3A_224 : vector<256x4096xi1>, vector<256x4096xi32>
    %reduce_min3A_226 = arith.constant dense<2147483647> : vector<256xi32>
    %reduce_min3A_227 = vector.multi_reduction <minsi>, %select_n3A_225, %reduce_min3A_226 [1] : vector<256x4096xi32> to vector<256xi32>
    %broadcast_in_dim3A_228 = vector.shape_cast %reduce_min3A_227 : vector<256xi32> to vector<256x1xi32>
    %eq3A_229 = vector.broadcast %broadcast_in_dim3A_228 : vector<256x1xi32> to vector<256x4096xi32>
    %eq3A_230 = arith.cmpi eq, %iota3A, %eq3A_229 : vector<256x4096xi32>
    %jit3A_231 = arith.constant 0x7F800000 : f32
    %broadcast_in_dim3A_232 = vector.broadcast %jit3A_231 : f32 to vector<256x4096xf32>
    %select_n3A_233 = arith.select %eq3A_230, %broadcast_in_dim3A_232, %select_n3A_217 : vector<256x4096xi1>, vector<256x4096xf32>
    %reduce_min3A_234 = arith.constant dense<0x7F800000> : vector<256xf32>
    %reduce_min3A_235 = vector.multi_reduction <minimumf>, %select_n3A_233, %reduce_min3A_234 [1] : vector<256x4096xf32> to vector<256xf32>
    %broadcast_in_dim3A_236 = vector.shape_cast %reduce_min3A_235 : vector<256xf32> to vector<256x1xf32>
    %eq3A_237 = vector.broadcast %broadcast_in_dim3A_236 : vector<256x1xf32> to vector<256x4096xf32>
    %eq3A_238 = arith.cmpf oeq, %select_n3A_233, %eq3A_237 : vector<256x4096xf32>
    %jit3A_239 = arith.constant 4096 : i32
    %broadcast_in_dim3A_240 = vector.broadcast %jit3A_239 : i32 to vector<256x4096xi32>
    %select_n3A_241 = arith.select %eq3A_238, %iota3A, %broadcast_in_dim3A_240 : vector<256x4096xi1>, vector<256x4096xi32>
    %reduce_min3A_242 = arith.constant dense<2147483647> : vector<256xi32>
    %reduce_min3A_243 = vector.multi_reduction <minsi>, %select_n3A_241, %reduce_min3A_242 [1] : vector<256x4096xi32> to vector<256xi32>
    %broadcast_in_dim3A_244 = vector.shape_cast %reduce_min3A_243 : vector<256xi32> to vector<256x1xi32>
    %eq3A_245 = vector.broadcast %broadcast_in_dim3A_244 : vector<256x1xi32> to vector<256x4096xi32>
    %eq3A_246 = arith.cmpi eq, %iota3A, %eq3A_245 : vector<256x4096xi32>
    %jit3A_247 = arith.constant 0x7F800000 : f32
    %broadcast_in_dim3A_248 = vector.broadcast %jit3A_247 : f32 to vector<256x4096xf32>
    %select_n3A_249 = arith.select %eq3A_246, %broadcast_in_dim3A_248, %select_n3A_233 : vector<256x4096xi1>, vector<256x4096xf32>
    %reduce_min3A_250 = arith.constant dense<0x7F800000> : vector<256xf32>
    %reduce_min3A_251 = vector.multi_reduction <minimumf>, %select_n3A_249, %reduce_min3A_250 [1] : vector<256x4096xf32> to vector<256xf32>
    %broadcast_in_dim3A_252 = vector.shape_cast %reduce_min3A_251 : vector<256xf32> to vector<256x1xf32>
    %eq3A_253 = vector.broadcast %broadcast_in_dim3A_252 : vector<256x1xf32> to vector<256x4096xf32>
    %eq3A_254 = arith.cmpf oeq, %select_n3A_249, %eq3A_253 : vector<256x4096xf32>
    %jit3A_255 = arith.constant 4096 : i32
    %broadcast_in_dim3A_256 = vector.broadcast %jit3A_255 : i32 to vector<256x4096xi32>
    %select_n3A_257 = arith.select %eq3A_254, %iota3A, %broadcast_in_dim3A_256 : vector<256x4096xi1>, vector<256x4096xi32>
    %reduce_min3A_258 = arith.constant dense<2147483647> : vector<256xi32>
    %reduce_min3A_259 = vector.multi_reduction <minsi>, %select_n3A_257, %reduce_min3A_258 [1] : vector<256x4096xi32> to vector<256xi32>
    %broadcast_in_dim3A_260 = vector.shape_cast %reduce_min3A_259 : vector<256xi32> to vector<256x1xi32>
    %eq3A_261 = vector.broadcast %broadcast_in_dim3A_260 : vector<256x1xi32> to vector<256x4096xi32>
    %eq3A_262 = arith.cmpi eq, %iota3A, %eq3A_261 : vector<256x4096xi32>
    %jit3A_263 = arith.constant 0x7F800000 : f32
    %broadcast_in_dim3A_264 = vector.broadcast %jit3A_263 : f32 to vector<256x4096xf32>
    %select_n3A_265 = arith.select %eq3A_262, %broadcast_in_dim3A_264, %select_n3A_249 : vector<256x4096xi1>, vector<256x4096xf32>
    %reduce_min3A_266 = arith.constant dense<0x7F800000> : vector<256xf32>
    %reduce_min3A_267 = vector.multi_reduction <minimumf>, %select_n3A_265, %reduce_min3A_266 [1] : vector<256x4096xf32> to vector<256xf32>
    %broadcast_in_dim3A_268 = vector.shape_cast %reduce_min3A_267 : vector<256xf32> to vector<256x1xf32>
    %eq3A_269 = vector.broadcast %broadcast_in_dim3A_268 : vector<256x1xf32> to vector<256x4096xf32>
    %eq3A_270 = arith.cmpf oeq, %select_n3A_265, %eq3A_269 : vector<256x4096xf32>
    %jit3A_271 = arith.constant 4096 : i32
    %broadcast_in_dim3A_272 = vector.broadcast %jit3A_271 : i32 to vector<256x4096xi32>
    %select_n3A_273 = arith.select %eq3A_270, %iota3A, %broadcast_in_dim3A_272 : vector<256x4096xi1>, vector<256x4096xi32>
    %reduce_min3A_274 = arith.constant dense<2147483647> : vector<256xi32>
    %reduce_min3A_275 = vector.multi_reduction <minsi>, %select_n3A_273, %reduce_min3A_274 [1] : vector<256x4096xi32> to vector<256xi32>
    %broadcast_in_dim3A_276 = vector.shape_cast %reduce_min3A_275 : vector<256xi32> to vector<256x1xi32>
    %concatenate3A = tpu.concatenate %broadcast_in_dim3A_36, %broadcast_in_dim3A_52, %broadcast_in_dim3A_68, %broadcast_in_dim3A_84, %broadcast_in_dim3A_100, %broadcast_in_dim3A_116, %broadcast_in_dim3A_132, %broadcast_in_dim3A_148, %broadcast_in_dim3A_164, %broadcast_in_dim3A_180, %broadcast_in_dim3A_196, %broadcast_in_dim3A_212, %broadcast_in_dim3A_228, %broadcast_in_dim3A_244, %broadcast_in_dim3A_260, %broadcast_in_dim3A_276 in 1 : vector<256x1xi32>, vector<256x1xi32>, vector<256x1xi32>, vector<256x1xi32>, vector<256x1xi32>, vector<256x1xi32>, vector<256x1xi32>, vector<256x1xi32>, vector<256x1xi32>, vector<256x1xi32>, vector<256x1xi32>, vector<256x1xi32>, vector<256x1xi32>, vector<256x1xi32>, vector<256x1xi32>, vector<256x1xi32> -> vector<256x16xi32>
    %swap3A = arith.constant 0 : index
    %swap3A_277 = arith.constant 0 : index
    %swap3A_278 = vector.load %arg3[%swap3A, %swap3A_277] : memref<256x16xi32, #tpu.memory_space<vmem>>, vector<256x16xi32>
    tpu.vector_store %arg3[%swap3A, %swap3A_277], %concatenate3A {strides = array<i32>} : memref<256x16xi32, #tpu.memory_space<vmem>>, vector<256x16xi32>,
    return
  }
  func.func @transform_0(%arg0: i32) -> (i32, i32) {
    %add3A = arith.constant 0 : i32
    %add3A_0 = arith.addi %arg0, %add3A : i32
    %c0_i32 = arith.constant 0 : i32
    %c0_i32_1 = arith.constant 0 : i32
    return %add3A_0, %c0_i32 : i32, i32
  }
  func.func @transform_1(%arg0: i32) -> (i32, i32) {
    %c0_i32 = arith.constant 0 : i32
    %c0_i32_0 = arith.constant 0 : i32
    %c0_i32_1 = arith.constant 0 : i32
    return %c0_i32, %c0_i32_0 : i32, i32
  }
  func.func @transform_2(%arg0: i32) -> (i32, i32) {
    %c0_i32 = arith.constant 0 : i32
    %c0_i32_0 = arith.constant 0 : i32
    return %arg0, %c0_i32 : i32, i32
  }
}

module attributes {stable_mosaic.version = 14 : i64} {
  func.func @_attn_body(%arg0: i32, %arg1: memref<128x512xf32, #tpu.memory_space<vmem>>, %arg2: memref<2048x512xf32, #tpu.memory_space<vmem>>, %arg3: memref<2048x512xf32, #tpu.memory_space<vmem>>, %arg4: memref<512x512xf32, #tpu.memory_space<vmem>>, %arg5: memref<1x512xf32, #tpu.memory_space<vmem>>, %arg6: memref<128x512xf32, #tpu.memory_space<vmem>>) attributes {dimension_semantics = [#tpu.dimension_semantics<arbitrary>], iteration_bounds = array<i64: 16>, scalar_prefetch = 0 : i64, scratch_operands = 0 : i64, tpu.core_type = #tpu.core_type<tc>, window_params = [{transform_indices = @transform_0, window_bounds = array<i64: 128, 512>}, {transform_indices = @transform_1, window_bounds = array<i64: 2048, 512>}, {transform_indices = @transform_2, window_bounds = array<i64: 2048, 512>}, {pipeline_mode = #tpu.pipeline_mode<synchronous>, transform_indices = @transform_3, window_bounds = array<i64: 512, 512>}, {pipeline_mode = #tpu.pipeline_mode<synchronous>, transform_indices = @transform_4, window_bounds = array<i64: 1, 512>}, {transform_indices = @transform_5, window_bounds = array<i64: 128, 512>}]} {
    %iota3A = tpu.iota {dimensions = array<i32: 0>} : vector<512x8xi32>
    %jit3A = arith.constant 64 : i32
    %div3A = vector.broadcast %jit3A : i32 to vector<512x8xi32>
    %div3A_0 = arith.divsi %iota3A, %div3A : vector<512x8xi32>
    %sign3A = arith.constant 0 : i32
    %sign3A_1 = vector.broadcast %sign3A : i32 to vector<512x8xi32>
    %sign3A_2 = arith.cmpi sgt, %iota3A, %sign3A_1 : vector<512x8xi32>
    %sign3A_3 = arith.extui %sign3A_2 : vector<512x8xi1> to vector<512x8xi32>
    %sign3A_4 = arith.constant 0 : i32
    %sign3A_5 = vector.broadcast %sign3A_4 : i32 to vector<512x8xi32>
    %sign3A_6 = arith.cmpi slt, %iota3A, %sign3A_5 : vector<512x8xi32>
    %sign3A_7 = arith.extui %sign3A_6 : vector<512x8xi1> to vector<512x8xi32>
    %sign3A_8 = arith.subi %sign3A_3, %sign3A_7 : vector<512x8xi32>
    %sign3A_9 = arith.constant 0 : i32
    %sign3A_10 = arith.cmpi sgt, %jit3A, %sign3A_9 : i32
    %sign3A_11 = arith.extui %sign3A_10 : i1 to i32
    %sign3A_12 = arith.constant 0 : i32
    %sign3A_13 = arith.cmpi slt, %jit3A, %sign3A_12 : i32
    %sign3A_14 = arith.extui %sign3A_13 : i1 to i32
    %sign3A_15 = arith.subi %sign3A_11, %sign3A_14 : i32
    %ne3A = vector.broadcast %sign3A_15 : i32 to vector<512x8xi32>
    %ne3A_16 = arith.cmpi ne, %sign3A_8, %ne3A : vector<512x8xi32>
    %rem3A = vector.broadcast %jit3A : i32 to vector<512x8xi32>
    %rem3A_17 = arith.remsi %iota3A, %rem3A : vector<512x8xi32>
    %ne3A_18 = arith.constant 0 : i32
    %ne3A_19 = vector.broadcast %ne3A_18 : i32 to vector<512x8xi32>
    %ne3A_20 = arith.cmpi ne, %rem3A_17, %ne3A_19 : vector<512x8xi32>
    %and3A = arith.andi %ne3A_16, %ne3A_20 : vector<512x8xi1>
    %sub3A = arith.constant 1 : i32
    %sub3A_21 = vector.broadcast %sub3A : i32 to vector<512x8xi32>
    %sub3A_22 = arith.subi %div3A_0, %sub3A_21 : vector<512x8xi32>
    %select_n3A = arith.select %and3A, %sub3A_22, %div3A_0 : vector<512x8xi1>, vector<512x8xi32>
    %iota3A_23 = tpu.iota {dimensions = array<i32: 1>} : vector<512x8xi32>
    %eq3A = arith.cmpi eq, %select_n3A, %iota3A_23 : vector<512x8xi32>
    %convert_element_type3A = arith.extui %eq3A : vector<512x8xi1> to vector<512x8xi32>
    %convert_element_type3A_24 = arith.sitofp %convert_element_type3A : vector<512x8xi32> to vector<512x8xf32>
    %get3A = arith.constant 0 : index
    %get3A_25 = arith.constant 0 : index
    %get3A_26 = vector.load %arg1[%get3A, %get3A_25] : memref<128x512xf32, #tpu.memory_space<vmem>>, vector<128x512xf32>
    %get3A_27 = arith.constant 0 : index
    %get3A_28 = arith.constant 0 : index
    %get3A_29 = vector.load %arg2[%get3A_27, %get3A_28] : memref<2048x512xf32, #tpu.memory_space<vmem>>, vector<2048x512xf32>
    %reshape3A = vector.shape_cast %get3A_29 : vector<2048x512xf32> to vector<128x16x512xf32>
    %broadcast_in_dim3A = vector.shape_cast %get3A_26 : vector<128x512xf32> to vector<128x1x512xf32>
    %mul3A = vector.broadcast %broadcast_in_dim3A : vector<128x1x512xf32> to vector<128x16x512xf32>
    %mul3A_30 = arith.mulf %mul3A, %reshape3A : vector<128x16x512xf32>
    %reshape3A_31 = vector.shape_cast %mul3A_30 : vector<128x16x512xf32> to vector<2048x512xf32>
    %convert_element_type3A_32 = arith.truncf %reshape3A_31 : vector<2048x512xf32> to vector<2048x512xbf16>
    %convert_element_type3A_33 = arith.extf %convert_element_type3A_32 : vector<2048x512xbf16> to vector<2048x512xf32>
    %sub3A_34 = arith.subf %reshape3A_31, %convert_element_type3A_33 : vector<2048x512xf32>
    %dot_general3A = arith.constant dense<0.000000e+00> : vector<2048x8xf32>
    %dot_general3A_35 = tpu.matmul %convert_element_type3A_33, %convert_element_type3A_24, %dot_general3A {dimension_numbers = #tpu.dot_dimension_numbers<[1], [0], [0], [1], [0, 0, 1, 1], [], []>, transpose_lhs_hint = false} : vector<2048x512xf32>, vector<512x8xf32>, vector<2048x8xf32> -> vector<2048x8xf32>
    %dot_general3A_36 = arith.constant dense<0.000000e+00> : vector<2048x8xf32>
    %dot_general3A_37 = tpu.matmul %sub3A_34, %convert_element_type3A_24, %dot_general3A_36 {dimension_numbers = #tpu.dot_dimension_numbers<[1], [0], [0], [1], [0, 0, 1, 1], [], []>, transpose_lhs_hint = false} : vector<2048x512xf32>, vector<512x8xf32>, vector<2048x8xf32> -> vector<2048x8xf32>
    %add3A = arith.addf %dot_general3A_35, %dot_general3A_37 : vector<2048x8xf32>
    %div3A_38 = arith.constant 8.000000e+00 : f32
    %div3A_39 = vector.broadcast %div3A_38 : f32 to vector<2048x8xf32>
    %div3A_40 = arith.divf %add3A, %div3A_39 : vector<2048x8xf32>
    %reshape3A_41 = vector.shape_cast %div3A_40 : vector<2048x8xf32> to vector<128x16x8xf32>
    %reduce_max3A = arith.constant dense<0xFF800000> : vector<128x8xf32>
    %reduce_max3A_42 = vector.multi_reduction <maximumf>, %reshape3A_41, %reduce_max3A [1] : vector<128x16x8xf32> to vector<128x8xf32>
    %broadcast_in_dim3A_43 = vector.shape_cast %reduce_max3A_42 : vector<128x8xf32> to vector<128x1x8xf32>
    %sub3A_44 = vector.broadcast %broadcast_in_dim3A_43 : vector<128x1x8xf32> to vector<128x16x8xf32>
    %sub3A_45 = arith.subf %reshape3A_41, %sub3A_44 : vector<128x16x8xf32>
    %exp3A = math.exp %sub3A_45 : vector<128x16x8xf32>
    %reduce_sum3A = arith.constant dense<0.000000e+00> : vector<128x8xf32>
    %reduce_sum3A_46 = vector.multi_reduction <add>, %exp3A, %reduce_sum3A [1] : vector<128x16x8xf32> to vector<128x8xf32>
    %broadcast_in_dim3A_47 = vector.shape_cast %reduce_sum3A_46 : vector<128x8xf32> to vector<128x1x8xf32>
    %div3A_48 = vector.broadcast %broadcast_in_dim3A_47 : vector<128x1x8xf32> to vector<128x16x8xf32>
    %div3A_49 = arith.divf %exp3A, %div3A_48 : vector<128x16x8xf32>
    %reshape3A_50 = vector.shape_cast %div3A_49 : vector<128x16x8xf32> to vector<2048x8xf32>
    %convert_element_type3A_51 = arith.truncf %reshape3A_50 : vector<2048x8xf32> to vector<2048x8xbf16>
    %convert_element_type3A_52 = arith.extf %convert_element_type3A_51 : vector<2048x8xbf16> to vector<2048x8xf32>
    %sub3A_53 = arith.subf %reshape3A_50, %convert_element_type3A_52 : vector<2048x8xf32>
    %dot_general3A_54 = arith.constant dense<0.000000e+00> : vector<2048x512xf32>
    %dot_general3A_55 = tpu.matmul %convert_element_type3A_52, %convert_element_type3A_24, %dot_general3A_54 {dimension_numbers = #tpu.dot_dimension_numbers<[1], [1], [0], [0], [0, 0, 1, 0], [], []>, transpose_lhs_hint = false} : vector<2048x8xf32>, vector<512x8xf32>, vector<2048x512xf32> -> vector<2048x512xf32>
    %dot_general3A_56 = arith.constant dense<0.000000e+00> : vector<2048x512xf32>
    %dot_general3A_57 = tpu.matmul %sub3A_53, %convert_element_type3A_24, %dot_general3A_56 {dimension_numbers = #tpu.dot_dimension_numbers<[1], [1], [0], [0], [0, 0, 1, 0], [], []>, transpose_lhs_hint = false} : vector<2048x8xf32>, vector<512x8xf32>, vector<2048x512xf32> -> vector<2048x512xf32>
    %add3A_58 = arith.addf %dot_general3A_55, %dot_general3A_57 : vector<2048x512xf32>
    %get3A_59 = arith.constant 0 : index
    %get3A_60 = arith.constant 0 : index
    %get3A_61 = vector.load %arg3[%get3A_59, %get3A_60] : memref<2048x512xf32, #tpu.memory_space<vmem>>, vector<2048x512xf32>
    %mul3A_62 = arith.mulf %add3A_58, %get3A_61 : vector<2048x512xf32>
    %reshape3A_63 = vector.shape_cast %mul3A_62 : vector<2048x512xf32> to vector<128x16x512xf32>
    %reduce_sum3A_64 = arith.constant dense<0.000000e+00> : vector<128x512xf32>
    %reduce_sum3A_65 = vector.multi_reduction <add>, %reshape3A_63, %reduce_sum3A_64 [1] : vector<128x16x512xf32> to vector<128x512xf32>
    %get3A_66 = arith.constant 0 : index
    %get3A_67 = arith.constant 0 : index
    %get3A_68 = vector.load %arg4[%get3A_66, %get3A_67] : memref<512x512xf32, #tpu.memory_space<vmem>>, vector<512x512xf32>
    %dot_general3A_69 = arith.constant dense<0.000000e+00> : vector<128x512xf32>
    %dot_general3A_70 = tpu.matmul %reduce_sum3A_65, %get3A_68, %dot_general3A_69 {dimension_numbers = #tpu.dot_dimension_numbers<[1], [1], [0], [0], [0, 0, 1, 0], [], []>, transpose_lhs_hint = false} : vector<128x512xf32>, vector<512x512xf32>, vector<128x512xf32> -> vector<128x512xf32>
    %get3A_71 = arith.constant 0 : index
    %get3A_72 = arith.constant 0 : index
    %get3A_73 = vector.load %arg5[%get3A_71, %get3A_72] : memref<1x512xf32, #tpu.memory_space<vmem>>, vector<1x512xf32>
    %add3A_74 = vector.broadcast %get3A_73 : vector<1x512xf32> to vector<128x512xf32>
    %add3A_75 = arith.addf %dot_general3A_70, %add3A_74 : vector<128x512xf32>
    %swap3A = arith.constant 0 : index
    %swap3A_76 = arith.constant 0 : index
    %swap3A_77 = vector.load %arg6[%swap3A, %swap3A_76] : memref<128x512xf32, #tpu.memory_space<vmem>>, vector<128x512xf32>
    tpu.vector_store %arg6[%swap3A, %swap3A_76], %add3A_75 {strides = array<i32>} : memref<128x512xf32, #tpu.memory_space<vmem>>, vector<128x512xf32>,
    return
  }
  func.func @transform_0(%arg0: i32) -> (i32, i32) {
    %add3A = arith.constant 0 : i32
    %add3A_0 = arith.addi %arg0, %add3A : i32
    %c0_i32 = arith.constant 0 : i32
    %c0_i32_1 = arith.constant 0 : i32
    return %add3A_0, %c0_i32 : i32, i32
  }
  func.func @transform_1(%arg0: i32) -> (i32, i32) {
    %c0_i32 = arith.constant 0 : i32
    %c0_i32_0 = arith.constant 0 : i32
    return %arg0, %c0_i32 : i32, i32
  }
  func.func @transform_2(%arg0: i32) -> (i32, i32) {
    %c0_i32 = arith.constant 0 : i32
    %c0_i32_0 = arith.constant 0 : i32
    return %arg0, %c0_i32 : i32, i32
  }
  func.func @transform_3(%arg0: i32) -> (i32, i32) {
    %c0_i32 = arith.constant 0 : i32
    %c0_i32_0 = arith.constant 0 : i32
    %c0_i32_1 = arith.constant 0 : i32
    return %c0_i32, %c0_i32_0 : i32, i32
  }
  func.func @transform_4(%arg0: i32) -> (i32, i32) {
    %c0_i32 = arith.constant 0 : i32
    %c0_i32_0 = arith.constant 0 : i32
    %c0_i32_1 = arith.constant 0 : i32
    return %c0_i32, %c0_i32_0 : i32, i32
  }
  func.func @transform_5(%arg0: i32) -> (i32, i32) {
    %c0_i32 = arith.constant 0 : i32
    %c0_i32_0 = arith.constant 0 : i32
    return %arg0, %c0_i32 : i32, i32
  }
}

</mosaic_0001>

<sc_bundles>
// kernel: kernel.12.cloned.1.call-start
scs
__scs_entry_jumppad:
0x0: {  	(pc) =	sbr.rel $0x88, $3  }
0x1: {  	(tag) =	ssettag $0x0;
	lr =	simm.s32 $0x1  }
0x2: {  	[smem:$0x3F9A] =	sst lr;
	_ =	strace $0xD0000000  }
0x3: {  	_ = 	snop  }
0x4: {  	_ = 	snop  }
0x5: {  	_ = 	snop  }
0x6: {  	_ = 	snop  }
0x7: {  	_ = 	snop  }
__scs_overlays_trampoline_lowered:
0x8: {  	[smem:$0x3FA9] =	sst s0  }
0x9: {  	[smem:$0x3FAA] =	sst s1  }
0xa: {  	[smem:$0x3FAB] =	sst s2  }
0xb: {  	[smem:$0x3FAC] =	sst s3  }
0xc: {  	[smem:$0x3FAD] =	sst s4  }
0xd: {  	[smem:$0x3FAE] =	sst s5  }
0xe: {  	[smem:$0x3FAF] =	sst s6  }
0xf: {  	[smem:$0x3FB0] =	sst s7  }
0x10: {  	[smem:$0x3FB1] =	sst s8  }
0x11: {  	[smem:$0x3FB2] =	sst s9;
	s0 =	simm.s32 @!p0 $0x0  }
0x12: {  	s1 =	sld [smem:$0x3F98];
	s0 =	simm.s32 @p0 $0x1  }
0x13: {  	[smem:$0x3FB3] =	sst s0;
	s0 =	simm.s32 @!p1 $0x0  }
0x14: {  	s2 =	sld [smem:$0x3F97];
	s0 =	simm.s32 @p1 $0x1  }
0x15: {  	[smem:$0x3FB4] =	sst s0;
	s0 =	simm.s32 @!p2 $0x0  }
0x16: {  	s3 =	sld [smem:$0x3FDB];
	s0 =	simm.s32 @p2 $0x1  }
0x17: {  	s4 =	simm.s32 $0x1BF5;
	[smem:$0x3FB6] =	sst s0  }
0x18: {  	s0 =	sld [smem:$0x3F99];
	_ =	swait.ge [sflag:s4], $0x0  }
0x19: {  	s7 =	sld [smem:$0x3F9A]  }
0x1a: {  	s8 =	sadd.s32 $0xFFFFE003, lr  }
0x1b: {  	s9 =	sadd.s32 $0xFFFFFEF7, lr;
	s5 =	simm.s32 $0xFFFFFFFF;
	p2 =	slt.u32 s8, $0xFFFFF086  }
0x1c: {  	p1 =	slt.u32 s9, $0xF7A;
	s5 =	simm.s32 @!p2 $0x0  }
0x1d: {  	s5 =	simm.s32 @p1 $0x1;
	p0 =	seq.s32 s7, s2  }
0x1e: {  	s7 =	smul.u32 @!p0 $0xF7A, s2;
	p2 =	seq.s32 @!p0 s5, $0x0  }
0x1f: {  	s9 =	smul.u32 $0xF7A, s1;
	s8 =	simm.s32 @!p0 $0x1BF5;
	p2 =	por !p2, p0  }
0x20: {  	[sflag:s8] =	ssyncset.s32 @!p0 $0xFFFFF086;
	s6 =	sadd.s32 @!p0 s3, s7;
	s7 =	simm.s32 @!p0 $0x108  }
0x21: {  	s3 =	sadd.s32 s3, s9;
	s6 =	sadd.s32 @!p0 $0x88, s6;
	s7 =	simm.s32 @p2 $0x1082  }
0x22: {  	[simem:s7], [sflag:s8] =	dma.local @!p0 [hbm:s6], $0xF7A  }
0x23: {  	s9 =	sor.u32 $0xD0000000, s2;
	s6 =	simm.s32 $0x108;
	_ =	swait.ge @!p0 [sflag:s8], $0x0  }
0x24: {  	s3 =	sadd.s32 $0x88, s3;
	s6 =	simm.s32 @!p1 $0x1082;
	[sflag:s4] =	ssyncset.s32 $0xFFFFF086  }
0x25: {  	[simem:s6], [sflag:s4] =	dma.local [hbm:s3], $0xF7A  }
0x26: {  	[smem:$0x3F9A] =	sst s1;
	(tag) =	ssettag s2;
	_ =	strace s9  }
0x27: {  	s1 =	sld [smem:$0x3FAA]  }
0x28: {  	s2 =	sld [smem:$0x3FAB]  }
0x29: {  	s4 =	sld [smem:$0x3FAD]  }
0x2a: {  	p0 =	seq.s32 s5, $0x0;
	s5 =	sld [smem:$0x3FAE]  }
0x2b: {  	s6 =	sld [smem:$0x3FAF]  }
0x2c: {  	s7 =	sld [smem:$0x3FB0]  }
0x2d: {  	s3 =	simm.s32 $0x108;
	s8 =	sld [smem:$0x3FB1]  }
0x2e: {  	s3 =	simm.s32 @!p0 $0x1082;
	s9 =	sld [smem:$0x3FB2]  }
0x2f: {  	lr =	sadd.s32 s0, s3;
	s0 =	sld [smem:$0x3FA9]  }
0x30: {  	s3 =	sld [smem:$0x3FAC]  }
0x31: {  	[smem:$0x3FB5] =	sst s10  }
0x32: {  	s10 =	sld [smem:$0x3FB3];
	_ =	sdelay $0x3  }
0x33: {  	p0 =	seq.s32 s10, $0x1;
	s10 =	sld [smem:$0x3FB5];
	_ =	sdelay $0x3  }
0x34: {  	[smem:$0x3FB5] =	sst s10  }
0x35: {  	s10 =	sld [smem:$0x3FB4];
	_ =	sdelay $0x3  }
0x36: {  	p1 =	seq.s32 s10, $0x1;
	s10 =	sld [smem:$0x3FB5];
	_ =	sdelay $0x3  }
0x37: {  	[smem:$0x3FB5] =	sst s10  }
0x38: {  	s10 =	sld [smem:$0x3FB6]  }
0x39: {  	_ = 	snop;
	(pc) =	sbr.ind lr, $3  }
0x3a: {  	_ = 	snop  }
0x3b: {  	_ = 	snop  }
0x3c: {  	p2 =	seq.s32 s10, $0x1;
	s10 =	sld [smem:$0x3FB5]  }
0x3d: {  	_ =	shalt  }
0x3e: {  	_ =	shalt  }
0x3f: {  	_ =	shalt  }
0x40: {  	_ =	shalt  }
0x41: {  	_ =	shalt  }
0x42: {  	_ =	shalt  }
0x43: {  	_ =	shalt  }
0x44: {  	_ =	shalt  }
0x45: {  	_ =	shalt  }
0x46: {  	_ =	shalt  }
0x47: {  	_ =	shalt  }
0x48: {  	_ =	shalt  }
0x49: {  	_ =	shalt  }
0x4a: {  	_ =	shalt  }
0x4b: {  	_ =	shalt  }
0x4c: {  	_ =	shalt  }
0x4d: {  	_ =	shalt  }
0x4e: {  	_ =	shalt  }
0x4f: {  	_ =	shalt  }
0x50: {  	_ =	shalt  }
0x51: {  	_ =	shalt  }
0x52: {  	_ =	shalt  }
0x53: {  	_ =	shalt  }
0x54: {  	_ =	shalt  }
0x55: {  	_ =	shalt  }
0x56: {  	_ =	shalt  }
0x57: {  	_ =	shalt  }
0x58: {  	_ =	shalt  }
0x59: {  	_ =	shalt  }
0x5a: {  	_ =	shalt  }
0x5b: {  	_ =	shalt  }
0x5c: {  	_ =	shalt  }
0x5d: {  	_ =	shalt  }
0x5e: {  	_ =	shalt  }
0x5f: {  	_ =	shalt  }
0x60: {  	_ =	shalt  }
0x61: {  	_ =	shalt  }
0x62: {  	_ =	shalt  }
0x63: {  	_ =	shalt  }
0x64: {  	_ =	shalt  }
0x65: {  	_ =	shalt  }
0x66: {  	_ =	shalt  }
0x67: {  	_ =	shalt  }
0x68: {  	_ =	shalt  }
0x69: {  	_ =	shalt  }
0x6a: {  	_ =	shalt  }
0x6b: {  	_ =	shalt  }
0x6c: {  	_ =	shalt  }
0x6d: {  	_ =	shalt  }
0x6e: {  	_ =	shalt  }
0x6f: {  	_ =	shalt  }
0x70: {  	_ =	shalt  }
0x71: {  	_ =	shalt  }
0x72: {  	_ =	shalt  }
0x73: {  	_ =	shalt  }
0x74: {  	_ =	shalt  }
0x75: {  	_ =	shalt  }
0x76: {  	_ =	shalt  }
0x77: {  	_ =	shalt  }
0x78: {  	_ =	shalt  }
0x79: {  	_ =	shalt  }
0x7a: {  	_ =	shalt  }
0x7b: {  	_ =	shalt  }
0x7c: {  	_ =	shalt  }
0x7d: {  	_ =	shalt  }
0x7e: {  	_ =	shalt  }
0x7f: {  	_ =	shalt  }
0x80: {  	_ =	shalt  }
0x81: {  	_ =	shalt  }
0x82: {  	_ =	shalt  }
0x83: {  	_ =	shalt  }
0x84: {  	_ =	shalt  }
0x85: {  	_ =	shalt  }
0x86: {  	_ =	shalt  }
0x87: {  	_ =	shalt  }
.Lfunc_end0:
.L_simem_size_0:
called_computation.1_lowered:
.L_overlay_start_0:
0x88: {  	s2 =	sld [smem:$0x3FD9]  }
0x89: {  	s3 =	sld [smem:$0x3FFE];
	_ =	sdelay $0x1  }
0x8a: {  	s1 =	srdreg.scid  }
0x8b: {  	s0 =	sand.u32 $0x1, s1  }
0x8c: {  	s17 =	sshll.u32 s0, $0xA;
	s2 =	sadd.s32 s3, s2  }
0x8d: {  	s2 =	sadd.s32 s2, s17  }
0x8e: {  	[smem:$0x3FC1] =	sst s2  }
0x8f: {  	_ = 	snop  }
0x90: {  	s2 =	sld [smem:$0x3FD0];
	(tm) =	ssettm $0x1  }
0x91: {  	s18 =	sld [smem:$0x3FFB];
	_ =	sdelay $0x3  }
0x92: {  	_ =	strace s18  }
0x93: {  	s3 =	sld [smem:$0x3FFC];
	_ =	sdelay $0x3  }
0x94: {  	_ =	strace s3  }
0x95: {  	s3 =	sld [smem:$0x3FFD];
	_ =	sdelay $0x3  }
0x96: {  	_ =	strace s3  }
0x97: {  	_ =	strace $0x8FFFFFFF  }
0x98: {  	s19 =	sld [smem:$0x3FDB];
	_ =	sdelay $0x1  }
0x99: {  	s4 =	simm.s32 $_scs_section_size  }
0x9a: {  	s5 =	simm.s32 $_size__tile_overlayer_lowered;
	s6 =	simm.s32 $_tile_overlayer_lowered  }
0x9b: {  	s22 =	simm.s32 $0x1BFF;
	s21 =	sshll.u32 s6, $0x1;
	s3 =	sadd.s32 s4, s19  }
0x9c: {  	s7 =	simm.s32 $0x0;
	s20 =	sshll.u32 s5, $0x1;
	s5 =	sadd.s32 s21, s3  }
0x9d: {  	[timem:s7], [sflag:s22] =	dma.local [hbm:s5], s20  }
0x9e: {  	_ =	swait.ge [sflag:s22], s20  }
0x9f: {  	s4 =	ssub.s32 $0x0, s20;
	[sflag:s22] =	ssyncset.done $0x0  }
0xa0: {  	[sflag:s22] =	ssyncadd.s32 s4;
	_ =	sdelay $0x1  }
0xa1: {  	s23 =	simm.s32 $0x1B8B  }
0xa2: {  	_ =	swait.ge [sflag:s23], $0x1  }
0xa3: {  	[sflag:s23] =	ssyncset.done $0x0  }
0xa4: {  	s25 =	simm.s32 $0x1B8E;
	s24 =	sld [smem:$0x3FFE];
	[sflag:s23] =	ssyncadd.s32 $0xFFFFFFFF  }
0xa5: {  	s26 =	simm.s32 $execute0_lowered;
	[smem:$0x3FD2] =	sst s25  }
0xa6: {  	s5 =	sshll.u32 s26, $0x1;
	_ =	strace $0x80000046;
	[dreg:$0x1] =	wrdreg $0xFFFFFFFF  }
0xa7: {  	s28 =	simm.s32 $_size_execute0_lowered;
	s3 =	sadd.s32 s3, s5;
	[dreg:$0x0] =	wrdreg $0x0  }
0xa8: {  	s5 =	sshll.u32 s28, $0x1;
	[dreg:$0x2] =	wrdreg s3  }
0xa9: {  	[dreg:$0x3] =	wrdreg s5  }
0xaa: {  	[dreg:$0x4] =	wrdreg $0xC0  }
0xab: {  	_ =	task [dreg:s7], $0x5FFFF  }
0xac: {  	[dreg:$0x1] =	wrdreg $0xFFFFFFFF  }
0xad: {  	[dreg:$0x0] =	wrdreg $0x60  }
0xae: {  	[dreg:$0x2] =	wrdreg s24  }
0xaf: {  	[dreg:$0x3] =	wrdreg s2  }
0xb0: {  	[dreg:$0x4] =	wrdreg $0xA  }
0xb1: {  	_ =	task.clear_ibuf [dreg:s7], $0x5FFFF;
	_ =	strace $0x90000046  }
0xb2: {  	s29 =	simm.s32 $0xA;
	_ =	strace $0x80000048  }
0xb3: {  	_ =	swait.ge [sflag:s29], $0x1  }
0xb4: {  	[sflag:s29] =	ssyncadd.s32 $0xFFFFFFFF  }
0xb5: {  	_ =	strace $0x90000048  }
0xb6: {  	_ =	sfence  }
0xb7: {  	s30 =	sld [smem:$0x0];
	_ =	sdelay $0x2  }
0xb8: {  	s31 =	sshll.u32 s1, $0xD;
	s1 =	sshrl.u32 s1, $0x2  }
0xb9: {  	s3 =	sand.u32 $0x4000, s31;
	s1 =	sadd.s32 s1, s30  }
0xba: {  	s0 =	sor.u32 s3, s0;
	s1 =	sshll.u32 s1, $0x11  }
0xbb: {  	s0 =	sor.u32 s1, s0  }
0xbc: {  	s0 =	sadd.s32 $0x8F2B, s0  }
0xbd: {  	[sflag:s0] =	ssyncadd.remote.s32 $0x1  }
0xbe: {  	_ =	sfence.sel $0xFFFF  }
0xbf: {  	[dreg:$0x0] =	wrdreg $0xFFFFFFFF;
	(pc) =	sbr.abs _section_cstart, $3  }
0xc0: {  	[dreg:$0x1] =	wrdreg $0xFFFFFFFF  }
0xc1: {  	_ =	task.clear_ibuf [dreg:s7], $0x2FFFF;
	_ =	strace $0x9FFFFFFF  }
0xc2: {  	(tm) =	ssettm $0x7FFFFFFF  }
0xc3: {  	_ =	shalt  }
tec
execute0_lowered:
.L_overlay_start_1:
0x0: {  	(tag) =	ssettag $0x1  }
0x1: {  	s0 =	rddreg [dreg:$0x0]  }
0x2: {  	s2 =	rddreg [dreg:$0x1];
	s3 =	srdreg.scid  }
0x3: {  	s1 =	stileid.u32;
	s5 =	sand.u32 $0x1, s3;
	s3 =	simm.s32 $0x0  }
0x4: {  	s11 =	simm.s32 $0xC00;
	s12 =	simm.s32 $0x1400;
	[smem:$0x7FF] =	sst s3  }
0x5: {  	s13 =	simm.s32 $0x1C00;
	_ =	strace $0x80000047;
	[dreg:$0x5] =	wrdreg s11  }
0x6: {  	s14 =	simm.s32 $0x2400;
	s15 =	simm.s32 $0x2C00;
	[dreg:$0x6] =	wrdreg s12  }
0x7: {  	s16 =	simm.s32 $0x3400;
	s17 =	simm.s32 $0x3C00;
	[dreg:$0x7] =	wrdreg s13  }
0x8: {  	s18 =	simm.s32 $0x4400;
	s20 =	simm.s32 $0x4C00;
	[dreg:$0x8] =	wrdreg s14  }
0x9: {  	s21 =	simm.s32 $0x5400;
	s23 =	simm.s32 $0x5C00;
	[dreg:$0x9] =	wrdreg s15  }
0xa: {  	s24 =	simm.s32 $0x6400;
	s25 =	simm.s32 $0x6C00;
	[dreg:$0xa] =	wrdreg s16  }
0xb: {  	s26 =	simm.s32 $0x7400;
	s9 =	simm.s32 $0x3;
	[dreg:$0xb] =	wrdreg s17  }
0xc: {  	s31 =	simm.s32 $0x7C00;
	s10 =	simm.s32 $0x400;
	[dreg:$0xc] =	wrdreg s18  }
0xd: {  	s28 =	simm.s32 $0x1;
	s29 =	simm.s32 $0x2;
	[dreg:$0xd] =	wrdreg s20  }
0xe: {  	s30 =	simm.s32 $0x0;
	s4 =	sshll.u32 s1, $0x11;
	[dreg:$0xe] =	wrdreg s21  }
0xf: {  	s7 =	sshll.u32 s1, $0xB;
	s4 =	sadd.s32 s4, s0;
	[dreg:$0xf] =	wrdreg s23  }
0x10: {  	s6 =	sshll.u32 s5, $0x10;
	s8 =	sshll.u32 s5, $0xA;
	[dreg:$0x10] =	wrdreg s24  }
0x11: {  	s5 =	ssub.s32 $0x2, s5;
	s4 =	sadd.s32 s6, s4;
	[dreg:$0x11] =	wrdreg s25  }
0x12: {  	s7 =	sor.u32 s8, s7;
	s19 =	sshrl.u32 s5, $0x1;
	[dreg:$0x12] =	wrdreg s26  }
0x13: {  	[dreg:$0x13] =	wrdreg s31;
	s11 =	simm.s32 $0x8400;
	s12 =	simm.s32 $0x8C00  }
0x14: {  	s13 =	simm.s32 $0x9400;
	s14 =	simm.s32 $0x9C00;
	s15 =	simm.s32 $0xA400  }
0x15: {  	s16 =	simm.s32 $0xAC00;
	s17 =	simm.s32 $0xB400;
	s18 =	simm.s32 $0xBC00  }
0x16: {  	s20 =	simm.s32 $0xCC00;
	s21 =	simm.s32 $0xD400;
	s23 =	simm.s32 $0xE400  }
0x17: {  	s24 =	simm.s32 $0xEC00;
	s25 =	simm.s32 $0xF400;
	s26 =	simm.s32 $0xFC00  }
0x18: {  	s6 =	sadd.s32 $0x42E00, s4;
	s4 =	sadd.s32 $0x242E00, s4;
	s7 =	sshrl.u32 s7, $0x3  }
0x19: {  	s8 =	ssub.s32 s5, s19;
	s19 =	simm.s32 $0xC400;
	[dreg:$0x3] =	wrdreg s6  }
0x1a: {  	v2 =	vlaneseq.u32;
	[dreg:$0x4] =	wrdreg s4;
	s4 =	sadd.s32 $0x2E00, s0;
	s7 =	sadd.s32 s7, s0  }
0x1b: {  	vm0 =	vmmov $0xffff;
	v1 =	vshrl.u32 v2, $0x3;
	s6 =	sadd.s32 $0x2F00, s0;
	s8 =	smax.u32 s8, $0x1;
	s22 =	sadd.s32 $0x1E00, s7  }
0x1c: {  	v0 =	vand.u32 $0x7, v2;
	v2 =	vor.u32 $0x8, v2;
	v1 =	vmul.u32 $0x8, v1;
	s7 =	sadd.s32 $0x100, s2;
	[dreg:$0x14] =	wrdreg s22;
	s22 =	simm.s32 $0xDC00  }
.LBB2_1:
0x1d: {  	s0 =	rddreg [dreg:$0x14]  }
0x1e: {  	[tilespmem:s3], [sflag:$0x3] =	stream.linear.gather [hbm4b:s0+s3], $0x400, $0x38;
	[tilespmem:$0x10400] =	vst v63  }
0x1f: {  	_ =	swait.ge [sflag:s9], $0x400  }
0x20: {  	[sflag:s9] =	ssyncset.done $0x0  }
0x21: {  	s31 =	simm.s32 $0x20;
	s0 =	simm.s32 $0x0;
	[sflag:s9] =	ssyncadd.s32 $0xFFFFFC00  }
.LBB2_2:
0x22: {  	v3 =	vld [tilespmem:s31+$0xFFFFFFE0];
	_ =	sdelay $0x4  }
0x23: {  	v4 =	vshll.u32 v3, $0x2  }
0x24: {  	v3 =	vand.u32 $0x7, v3;
	v4 =	vand.u32 $0xFFFFFFE0, v4  }
0x25: {  	v3 =	vor.u32 v3, v4  }
0x26: {  	v4 =	vperm.xlane v3, v0;
	_ =	sdelay $0x1  }
0x27: {  	v4 =	vadd.s32 v1, v4;
	_ =	sdelay $0x1  }
0x28: {  	v3 =	vperm.xlane v3, v2;
	_ =	sdelay $0x1  }
0x29: {  	v3 =	vadd.s32 v1, v3  }
0x2a: {  	[tilespmem:s10], [sflag:$0x1] =	stream.indirect_vreg.gather [hbm4b:s4+s3], $0x80, v4, vm0, $0xb8;
	[tilespmem:$0x10400] =	vst v63  }
0x2b: {  	s1 =	rddreg [dreg:$0x5]  }
0x2c: {  	[tilespmem:s1], [sflag:$0x1] =	stream.indirect_vreg.gather [hbm4b:s6+s3], $0x80, v4, vm0, $0xb8;
	[tilespmem:$0x10400] =	vst v63  }
0x2d: {  	s5 =	rddreg [dreg:$0x6]  }
0x2e: {  	[tilespmem:s5], [sflag:$0x1] =	stream.indirect_vreg.gather [hbm4b:s4+s3], $0x80, v3, vm0, $0xb8;
	[tilespmem:$0x10400] =	vst v63  }
0x2f: {  	s1 =	rddreg [dreg:$0x7]  }
0x30: {  	[tilespmem:s1], [sflag:$0x1] =	stream.indirect_vreg.gather [hbm4b:s6+s3], $0x80, v3, vm0, $0xb8;
	[tilespmem:$0x10400] =	vst v63  }
0x31: {  	v3 =	vld [tilespmem:s31+$0xFFFFFFF0];
	_ =	sdelay $0x4  }
0x32: {  	v57 =	vshll.u32 v3, $0x2  }
0x33: {  	v3 =	vand.u32 $0x7, v3;
	v4 =	vand.u32 $0xFFFFFFE0, v57  }
0x34: {  	v3 =	vor.u32 v3, v4  }
0x35: {  	v4 =	vperm.xlane v3, v0;
	_ =	sdelay $0x1  }
0x36: {  	v4 =	vadd.s32 v1, v4;
	_ =	sdelay $0x1  }
0x37: {  	v3 =	vperm.xlane v3, v2;
	_ =	sdelay $0x1  }
0x38: {  	s1 =	rddreg [dreg:$0x8];
	v3 =	vadd.s32 v1, v3  }
0x39: {  	[tilespmem:s1], [sflag:$0x1] =	stream.indirect_vreg.gather [hbm4b:s4+s3], $0x80, v4, vm0, $0xb8;
	[tilespmem:$0x10400] =	vst v63  }
0x3a: {  	s5 =	rddreg [dreg:$0x9]  }
0x3b: {  	[tilespmem:s5], [sflag:$0x1] =	stream.indirect_vreg.gather [hbm4b:s6+s3], $0x80, v4, vm0, $0xb8;
	[tilespmem:$0x10400] =	vst v63  }
0x3c: {  	s1 =	rddreg [dreg:$0xa]  }
0x3d: {  	[tilespmem:s1], [sflag:$0x1] =	stream.indirect_vreg.gather [hbm4b:s4+s3], $0x80, v3, vm0, $0xb8;
	[tilespmem:$0x10400] =	vst v63  }
0x3e: {  	s5 =	rddreg [dreg:$0xb]  }
0x3f: {  	[tilespmem:s5], [sflag:$0x1] =	stream.indirect_vreg.gather [hbm4b:s6+s3], $0x80, v3, vm0, $0xb8;
	[tilespmem:$0x10400] =	vst v63  }
0x40: {  	v3 =	vld [tilespmem:s31+$0x0];
	_ =	sdelay $0x4  }
0x41: {  	v58 =	vshll.u32 v3, $0x2  }
0x42: {  	v3 =	vand.u32 $0x7, v3;
	v4 =	vand.u32 $0xFFFFFFE0, v58  }
0x43: {  	v3 =	vor.u32 v3, v4  }
0x44: {  	v4 =	vperm.xlane v3, v0;
	_ =	sdelay $0x1  }
0x45: {  	v4 =	vadd.s32 v1, v4;
	_ =	sdelay $0x1  }
0x46: {  	v3 =	vperm.xlane v3, v2;
	_ =	sdelay $0x1  }
0x47: {  	s1 =	rddreg [dreg:$0xc];
	v3 =	vadd.s32 v1, v3  }
0x48: {  	[tilespmem:s1], [sflag:$0x1] =	stream.indirect_vreg.gather [hbm4b:s4+s3], $0x80, v4, vm0, $0xb8;
	[tilespmem:$0x10400] =	vst v63  }
0x49: {  	s5 =	rddreg [dreg:$0xd]  }
0x4a: {  	[tilespmem:s5], [sflag:$0x1] =	stream.indirect_vreg.gather [hbm4b:s6+s3], $0x80, v4, vm0, $0xb8;
	[tilespmem:$0x10400] =	vst v63  }
0x4b: {  	s1 =	rddreg [dreg:$0xe]  }
0x4c: {  	[tilespmem:s1], [sflag:$0x1] =	stream.indirect_vreg.gather [hbm4b:s4+s3], $0x80, v3, vm0, $0xb8;
	[tilespmem:$0x10400] =	vst v63  }
0x4d: {  	s5 =	rddreg [dreg:$0xf]  }
0x4e: {  	[tilespmem:s5], [sflag:$0x1] =	stream.indirect_vreg.gather [hbm4b:s6+s3], $0x80, v3, vm0, $0xb8;
	[tilespmem:$0x10400] =	vst v63  }
0x4f: {  	v3 =	vld [tilespmem:s31+$0x10];
	_ =	sdelay $0x4  }
0x50: {  	v59 =	vshll.u32 v3, $0x2  }
0x51: {  	v3 =	vand.u32 $0x7, v3;
	v4 =	vand.u32 $0xFFFFFFE0, v59  }
0x52: {  	v3 =	vor.u32 v3, v4  }
0x53: {  	v4 =	vperm.xlane v3, v0;
	_ =	sdelay $0x1  }
0x54: {  	v4 =	vadd.s32 v1, v4;
	_ =	sdelay $0x1  }
0x55: {  	v3 =	vperm.xlane v3, v2;
	_ =	sdelay $0x1  }
0x56: {  	s1 =	rddreg [dreg:$0x10];
	v3 =	vadd.s32 v1, v3  }
0x57: {  	[tilespmem:s1], [sflag:$0x1] =	stream.indirect_vreg.gather [hbm4b:s4+s3], $0x80, v4, vm0, $0xb8;
	[tilespmem:$0x10400] =	vst v63  }
0x58: {  	s5 =	rddreg [dreg:$0x11]  }
0x59: {  	[tilespmem:s5], [sflag:$0x1] =	stream.indirect_vreg.gather [hbm4b:s6+s3], $0x80, v4, vm0, $0xb8;
	[tilespmem:$0x10400] =	vst v63  }
0x5a: {  	s1 =	rddreg [dreg:$0x12]  }
0x5b: {  	[tilespmem:s1], [sflag:$0x1] =	stream.indirect_vreg.gather [hbm4b:s4+s3], $0x80, v3, vm0, $0xb8;
	[tilespmem:$0x10400] =	vst v63  }
0x5c: {  	s5 =	rddreg [dreg:$0x13]  }
0x5d: {  	[tilespmem:s5], [sflag:$0x1] =	stream.indirect_vreg.gather [hbm4b:s6+s3], $0x80, v3, vm0, $0xb8;
	[tilespmem:$0x10400] =	vst v63  }
0x5e: {  	v3 =	vld [tilespmem:s31+$0xFFFFFFE0];
	_ =	sdelay $0x4  }
0x5f: {  	v60 =	vshll.u32 v3, $0x2  }
0x60: {  	v3 =	vand.u32 $0x7, v3;
	v4 =	vand.u32 $0xFFFFFFE0, v60  }
0x61: {  	v3 =	vor.u32 v3, v4  }
0x62: {  	v4 =	vperm.xlane v3, v0;
	_ =	sdelay $0x1  }
0x63: {  	v4 =	vadd.s32 v1, v4;
	_ =	sdelay $0x1  }
0x64: {  	v3 =	vperm.xlane v3, v2;
	_ =	sdelay $0x1  }
0x65: {  	v3 =	vadd.s32 v1, v3  }
0x66: {  	[tilespmem:s11], [sflag:$0x2] =	stream.indirect_vreg.gather [hbm4b:s2+s3], $0x80, v4, vm0, $0xb8;
	[tilespmem:$0x10400] =	vst v63  }
0x67: {  	_ = 	snop  }
0x68: {  	[tilespmem:s12], [sflag:$0x2] =	stream.indirect_vreg.gather [hbm4b:s7+s3], $0x80, v4, vm0, $0xb8;
	[tilespmem:$0x10400] =	vst v63  }
0x69: {  	_ = 	snop  }
0x6a: {  	[tilespmem:s13], [sflag:$0x2] =	stream.indirect_vreg.gather [hbm4b:s2+s3], $0x80, v3, vm0, $0xb8;
	[tilespmem:$0x10400] =	vst v63  }
0x6b: {  	_ = 	snop  }
0x6c: {  	[tilespmem:s14], [sflag:$0x2] =	stream.indirect_vreg.gather [hbm4b:s7+s3], $0x80, v3, vm0, $0xb8;
	[tilespmem:$0x10400] =	vst v63  }
0x6d: {  	v3 =	vld [tilespmem:s31+$0xFFFFFFF0];
	_ =	sdelay $0x4  }
0x6e: {  	v61 =	vshll.u32 v3, $0x2  }
0x6f: {  	v3 =	vand.u32 $0x7, v3;
	v4 =	vand.u32 $0xFFFFFFE0, v61  }
0x70: {  	v3 =	vor.u32 v3, v4  }
0x71: {  	v4 =	vperm.xlane v3, v0;
	_ =	sdelay $0x1  }
0x72: {  	v4 =	vadd.s32 v1, v4;
	_ =	sdelay $0x1  }
0x73: {  	v3 =	vperm.xlane v3, v2;
	_ =	sdelay $0x1  }
0x74: {  	v3 =	vadd.s32 v1, v3  }
0x75: {  	[tilespmem:s15], [sflag:$0x2] =	stream.indirect_vreg.gather [hbm4b:s2+s3], $0x80, v4, vm0, $0xb8;
	[tilespmem:$0x10400] =	vst v63  }
0x76: {  	_ = 	snop  }
0x77: {  	[tilespmem:s16], [sflag:$0x2] =	stream.indirect_vreg.gather [hbm4b:s7+s3], $0x80, v4, vm0, $0xb8;
	[tilespmem:$0x10400] =	vst v63  }
0x78: {  	_ = 	snop  }
0x79: {  	[tilespmem:s17], [sflag:$0x2] =	stream.indirect_vreg.gather [hbm4b:s2+s3], $0x80, v3, vm0, $0xb8;
	[tilespmem:$0x10400] =	vst v63  }
0x7a: {  	_ = 	snop  }
0x7b: {  	[tilespmem:s18], [sflag:$0x2] =	stream.indirect_vreg.gather [hbm4b:s7+s3], $0x80, v3, vm0, $0xb8;
	[tilespmem:$0x10400] =	vst v63  }
0x7c: {  	v3 =	vld [tilespmem:s31+$0x0];
	_ =	sdelay $0x4  }
0x7d: {  	v62 =	vshll.u32 v3, $0x2  }
0x7e: {  	v3 =	vand.u32 $0x7, v3;
	v4 =	vand.u32 $0xFFFFFFE0, v62  }
0x7f: {  	v3 =	vor.u32 v3, v4  }
0x80: {  	v4 =	vperm.xlane v3, v0;
	_ =	sdelay $0x1  }
0x81: {  	v4 =	vadd.s32 v1, v4;
	_ =	sdelay $0x1  }
0x82: {  	v3 =	vperm.xlane v3, v2;
	_ =	sdelay $0x1  }
0x83: {  	v3 =	vadd.s32 v1, v3  }
0x84: {  	[tilespmem:s19], [sflag:$0x2] =	stream.indirect_vreg.gather [hbm4b:s2+s3], $0x80, v4, vm0, $0xb8;
	[tilespmem:$0x10400] =	vst v63  }
0x85: {  	_ = 	snop  }
0x86: {  	[tilespmem:s20], [sflag:$0x2] =	stream.indirect_vreg.gather [hbm4b:s7+s3], $0x80, v4, vm0, $0xb8;
	[tilespmem:$0x10400] =	vst v63  }
0x87: {  	_ = 	snop  }
0x88: {  	[tilespmem:s21], [sflag:$0x2] =	stream.indirect_vreg.gather [hbm4b:s2+s3], $0x80, v3, vm0, $0xb8;
	[tilespmem:$0x10400] =	vst v63  }
0x89: {  	_ = 	snop  }
0x8a: {  	[tilespmem:s22], [sflag:$0x2] =	stream.indirect_vreg.gather [hbm4b:s7+s3], $0x80, v3, vm0, $0xb8;
	[tilespmem:$0x10400] =	vst v63  }
0x8b: {  	v3 =	vld [tilespmem:s31+$0x10];
	_ =	sdelay $0x4  }
0x8c: {  	v63 =	vshll.u32 v3, $0x2  }
0x8d: {  	v3 =	vand.u32 $0x7, v3;
	v4 =	vand.u32 $0xFFFFFFE0, v63  }
0x8e: {  	v3 =	vor.u32 v3, v4  }
0x8f: {  	v4 =	vperm.xlane v3, v0;
	_ =	sdelay $0x1  }
0x90: {  	v4 =	vadd.s32 v1, v4;
	_ =	sdelay $0x1  }
0x91: {  	v3 =	vperm.xlane v3, v2;
	_ =	sdelay $0x1  }
0x92: {  	v3 =	vadd.s32 v1, v3  }
0x93: {  	[tilespmem:s23], [sflag:$0x2] =	stream.indirect_vreg.gather [hbm4b:s2+s3], $0x80, v4, vm0, $0xb8;
	[tilespmem:$0x10400] =	vst v63  }
0x94: {  	_ = 	snop  }
0x95: {  	[tilespmem:s24], [sflag:$0x2] =	stream.indirect_vreg.gather [hbm4b:s7+s3], $0x80, v4, vm0, $0xb8;
	[tilespmem:$0x10400] =	vst v63  }
0x96: {  	_ = 	snop  }
0x97: {  	[tilespmem:s25], [sflag:$0x2] =	stream.indirect_vreg.gather [hbm4b:s2+s3], $0x80, v3, vm0, $0xb8;
	[tilespmem:$0x10400] =	vst v63  }
0x98: {  	_ = 	snop  }
0x99: {  	[tilespmem:s26], [sflag:$0x2] =	stream.indirect_vreg.gather [hbm4b:s7+s3], $0x80, v3, vm0, $0xb8;
	[tilespmem:$0x10400] =	vst v63  }
0x9a: {  	_ =	swait.ge [sflag:s28], $0x8000  }
0x9b: {  	[sflag:s28] =	ssyncset.done $0x0  }
0x9c: {  	[sflag:s28] =	ssyncadd.s32 $0xFFFF8000  }
0x9d: {  	_ =	swait.ge [sflag:s29], $0x8000  }
0x9e: {  	s5 =	rddreg [dreg:$0x3];
	[sflag:s29] =	ssyncset.done $0x0  }
0x9f: {  	[sflag:s29] =	ssyncadd.s32 $0xFFFF8000;
	s1 =	sadd.s32 s0, s5  }
0xa0: {  	[hbm4b:s1+s3] =	stream.linear.scatter [tilespmem:s10], [sflag:$0x3], $0x8000, $0x38;
	[tilespmem:$0x10400] =	vst v63  }
0xa1: {  	_ =	swait.ge [sflag:s9], $0x8000  }
0xa2: {  	p0 =	sne.s32 s0, $0xF000;
	s5 =	rddreg [dreg:$0x4];
	[sflag:s9] =	ssyncset.done $0x0  }
.Ltmp0:
0xa3: {  	[sflag:s9] =	ssyncadd.s32 $0xFFFF8000;
	s1 =	sadd.s32 s0, s5;
	(pc) =	sbr.rel @p0 .LBB2_2-.Ltmp0, $4  }
0xa4: {  	[hbm4b:s1+s3] =	stream.linear.scatter [tilespmem:s11], [sflag:$0x3], $0x8000, $0x38;
	[tilespmem:$0x10400] =	vst v63  }
0xa5: {  	_ =	swait.ge [sflag:s9], $0x8000  }
0xa6: {  	[sflag:s9] =	ssyncset.done $0x0  }
0xa7: {  	s31 =	sadd.s32 $0x40, s31;
	s0 =	sadd.s32 $0x1000, s0;
	[sflag:s9] =	ssyncadd.s32 $0xFFFF8000  }
0xa8: {  	s30 =	sadd.s32 $0x1, s30  }
0xa9: {  	p0 =	sne.s32 s30, s8  }
.Ltmp1:
0xaa: {  	_ = 	snop;
	(pc) =	sbr.rel @p0 .LBB2_1-.Ltmp1, $1  }
0xab: {  	_ =	sdelay $0x3  }
0xac: {  	_ =	sfence.sel $0x180000  }
0xad: {  	[bflag:$0x0] =	sbarrier.arrive $0xFFFF  }
0xae: {  	_ =	strace $0x90000047  }
0xaf: {  	s0 =	stileid.u32;
	[bflag:$0x2] =	sbarrier.arrive $0xFFFF  }
0xb0: {  	p0 =	sne.s32 s0, $0x0;
	s0 =	rddreg [dreg:$0x2]  }
0xb1: {  	s0 =	sadd.s32 @!p0 $0x100000, s0  }
0xb2: {  	[sflag:s0] =	ssyncadd.tile.s32 @!p0 $0x1;
	_ =	shalt  }
.Lfunc_end2:
_tile_overlayer_lowered:
.L_overlay_start_2:
0xb3: {  	(tag) =	ssettag $0x2  }
0xb4: {  	s0 =	rddreg [dreg:$0x0];
	s2 =	stileid.u32  }
0xb5: {  	s1 =	rddreg [dreg:$0x1];
	p0 =	sne.s32 s2, $0x0  }
0xb6: {  	s3 =	rddreg [dreg:$0x2];
	[bflag:$0x3] =	sbarrier.arrive $0xFFFF;
	s2 =	simm.s32 @!p0 $0x1C03  }
0xb7: {  	[timem:s3], [sflag:s2] =	dma.local @!p0 [hbm:s0], s1  }
0xb8: {  	s0 =	simm.s32 @!p0 $0x3  }
0xb9: {  	_ =	swait.ge @!p0 [sflag:s0], s1  }
0xba: {  	s1 =	ssub.s32 @!p0 $0x0, s1;
	[sflag:s0] =	ssyncset.done @!p0 $0x0  }
0xbb: {  	[sflag:s0] =	ssyncadd.s32 @!p0 s1  }
0xbc: {  	[bflag:$0x3] =	sbarrier.arrive $0xFFFF  }
0xbd: {  	_ =	shalt  }

// kernel: kernel.9.cloned.1.call-start
scs
__scs_entry_jumppad:
0x0: {  	(pc) =	sbr.rel $0x88, $3  }
0x1: {  	(tag) =	ssettag $0x0;
	lr =	simm.s32 $0x1  }
0x2: {  	[smem:$0x3F9A] =	sst lr;
	_ =	strace $0xD0000000  }
0x3: {  	_ = 	snop  }
0x4: {  	_ = 	snop  }
0x5: {  	_ = 	snop  }
0x6: {  	_ = 	snop  }
0x7: {  	_ = 	snop  }
__scs_overlays_trampoline_lowered:
0x8: {  	[smem:$0x3FA9] =	sst s0  }
0x9: {  	[smem:$0x3FAA] =	sst s1  }
0xa: {  	[smem:$0x3FAB] =	sst s2  }
0xb: {  	[smem:$0x3FAC] =	sst s3  }
0xc: {  	[smem:$0x3FAD] =	sst s4  }
0xd: {  	[smem:$0x3FAE] =	sst s5  }
0xe: {  	[smem:$0x3FAF] =	sst s6  }
0xf: {  	[smem:$0x3FB0] =	sst s7  }
0x10: {  	[smem:$0x3FB1] =	sst s8  }
0x11: {  	[smem:$0x3FB2] =	sst s9;
	s0 =	simm.s32 @!p0 $0x0  }
0x12: {  	s1 =	sld [smem:$0x3F98];
	s0 =	simm.s32 @p0 $0x1  }
0x13: {  	[smem:$0x3FB3] =	sst s0;
	s0 =	simm.s32 @!p1 $0x0  }
0x14: {  	s2 =	sld [smem:$0x3F97];
	s0 =	simm.s32 @p1 $0x1  }
0x15: {  	[smem:$0x3FB4] =	sst s0;
	s0 =	simm.s32 @!p2 $0x0  }
0x16: {  	s3 =	sld [smem:$0x3FDB];
	s0 =	simm.s32 @p2 $0x1  }
0x17: {  	s4 =	simm.s32 $0x1BF5;
	[smem:$0x3FB6] =	sst s0  }
0x18: {  	s0 =	sld [smem:$0x3F99];
	_ =	swait.ge [sflag:s4], $0x0  }
0x19: {  	s7 =	sld [smem:$0x3F9A]  }
0x1a: {  	s8 =	sadd.s32 $0xFFFFE003, lr  }
0x1b: {  	s9 =	sadd.s32 $0xFFFFFEF7, lr;
	s5 =	simm.s32 $0xFFFFFFFF;
	p2 =	slt.u32 s8, $0xFFFFF086  }
0x1c: {  	p1 =	slt.u32 s9, $0xF7A;
	s5 =	simm.s32 @!p2 $0x0  }
0x1d: {  	s5 =	simm.s32 @p1 $0x1;
	p0 =	seq.s32 s7, s2  }
0x1e: {  	s7 =	smul.u32 @!p0 $0xF7A, s2;
	p2 =	seq.s32 @!p0 s5, $0x0  }
0x1f: {  	s9 =	smul.u32 $0xF7A, s1;
	s8 =	simm.s32 @!p0 $0x1BF5;
	p2 =	por !p2, p0  }
0x20: {  	[sflag:s8] =	ssyncset.s32 @!p0 $0xFFFFF086;
	s6 =	sadd.s32 @!p0 s3, s7;
	s7 =	simm.s32 @!p0 $0x108  }
0x21: {  	s3 =	sadd.s32 s3, s9;
	s6 =	sadd.s32 @!p0 $0x88, s6;
	s7 =	simm.s32 @p2 $0x1082  }
0x22: {  	[simem:s7], [sflag:s8] =	dma.local @!p0 [hbm:s6], $0xF7A  }
0x23: {  	s9 =	sor.u32 $0xD0000000, s2;
	s6 =	simm.s32 $0x108;
	_ =	swait.ge @!p0 [sflag:s8], $0x0  }
0x24: {  	s3 =	sadd.s32 $0x88, s3;
	s6 =	simm.s32 @!p1 $0x1082;
	[sflag:s4] =	ssyncset.s32 $0xFFFFF086  }
0x25: {  	[simem:s6], [sflag:s4] =	dma.local [hbm:s3], $0xF7A  }
0x26: {  	[smem:$0x3F9A] =	sst s1;
	(tag) =	ssettag s2;
	_ =	strace s9  }
0x27: {  	s1 =	sld [smem:$0x3FAA]  }
0x28: {  	s2 =	sld [smem:$0x3FAB]  }
0x29: {  	s4 =	sld [smem:$0x3FAD]  }
0x2a: {  	p0 =	seq.s32 s5, $0x0;
	s5 =	sld [smem:$0x3FAE]  }
0x2b: {  	s6 =	sld [smem:$0x3FAF]  }
0x2c: {  	s7 =	sld [smem:$0x3FB0]  }
0x2d: {  	s3 =	simm.s32 $0x108;
	s8 =	sld [smem:$0x3FB1]  }
0x2e: {  	s3 =	simm.s32 @!p0 $0x1082;
	s9 =	sld [smem:$0x3FB2]  }
0x2f: {  	lr =	sadd.s32 s0, s3;
	s0 =	sld [smem:$0x3FA9]  }
0x30: {  	s3 =	sld [smem:$0x3FAC]  }
0x31: {  	[smem:$0x3FB5] =	sst s10  }
0x32: {  	s10 =	sld [smem:$0x3FB3];
	_ =	sdelay $0x3  }
0x33: {  	p0 =	seq.s32 s10, $0x1;
	s10 =	sld [smem:$0x3FB5];
	_ =	sdelay $0x3  }
0x34: {  	[smem:$0x3FB5] =	sst s10  }
0x35: {  	s10 =	sld [smem:$0x3FB4];
	_ =	sdelay $0x3  }
0x36: {  	p1 =	seq.s32 s10, $0x1;
	s10 =	sld [smem:$0x3FB5];
	_ =	sdelay $0x3  }
0x37: {  	[smem:$0x3FB5] =	sst s10  }
0x38: {  	s10 =	sld [smem:$0x3FB6]  }
0x39: {  	_ = 	snop;
	(pc) =	sbr.ind lr, $3  }
0x3a: {  	_ = 	snop  }
0x3b: {  	_ = 	snop  }
0x3c: {  	p2 =	seq.s32 s10, $0x1;
	s10 =	sld [smem:$0x3FB5]  }
0x3d: {  	_ =	shalt  }
0x3e: {  	_ =	shalt  }
0x3f: {  	_ =	shalt  }
0x40: {  	_ =	shalt  }
0x41: {  	_ =	shalt  }
0x42: {  	_ =	shalt  }
0x43: {  	_ =	shalt  }
0x44: {  	_ =	shalt  }
0x45: {  	_ =	shalt  }
0x46: {  	_ =	shalt  }
0x47: {  	_ =	shalt  }
0x48: {  	_ =	shalt  }
0x49: {  	_ =	shalt  }
0x4a: {  	_ =	shalt  }
0x4b: {  	_ =	shalt  }
0x4c: {  	_ =	shalt  }
0x4d: {  	_ =	shalt  }
0x4e: {  	_ =	shalt  }
0x4f: {  	_ =	shalt  }
0x50: {  	_ =	shalt  }
0x51: {  	_ =	shalt  }
0x52: {  	_ =	shalt  }
0x53: {  	_ =	shalt  }
0x54: {  	_ =	shalt  }
0x55: {  	_ =	shalt  }
0x56: {  	_ =	shalt  }
0x57: {  	_ =	shalt  }
0x58: {  	_ =	shalt  }
0x59: {  	_ =	shalt  }
0x5a: {  	_ =	shalt  }
0x5b: {  	_ =	shalt  }
0x5c: {  	_ =	shalt  }
0x5d: {  	_ =	shalt  }
0x5e: {  	_ =	shalt  }
0x5f: {  	_ =	shalt  }
0x60: {  	_ =	shalt  }
0x61: {  	_ =	shalt  }
0x62: {  	_ =	shalt  }
0x63: {  	_ =	shalt  }
0x64: {  	_ =	shalt  }
0x65: {  	_ =	shalt  }
0x66: {  	_ =	shalt  }
0x67: {  	_ =	shalt  }
0x68: {  	_ =	shalt  }
0x69: {  	_ =	shalt  }
0x6a: {  	_ =	shalt  }
0x6b: {  	_ =	shalt  }
0x6c: {  	_ =	shalt  }
0x6d: {  	_ =	shalt  }
0x6e: {  	_ =	shalt  }
0x6f: {  	_ =	shalt  }
0x70: {  	_ =	shalt  }
0x71: {  	_ =	shalt  }
0x72: {  	_ =	shalt  }
0x73: {  	_ =	shalt  }
0x74: {  	_ =	shalt  }
0x75: {  	_ =	shalt  }
0x76: {  	_ =	shalt  }
0x77: {  	_ =	shalt  }
0x78: {  	_ =	shalt  }
0x79: {  	_ =	shalt  }
0x7a: {  	_ =	shalt  }
0x7b: {  	_ =	shalt  }
0x7c: {  	_ =	shalt  }
0x7d: {  	_ =	shalt  }
0x7e: {  	_ =	shalt  }
0x7f: {  	_ =	shalt  }
0x80: {  	_ =	shalt  }
0x81: {  	_ =	shalt  }
0x82: {  	_ =	shalt  }
0x83: {  	_ =	shalt  }
0x84: {  	_ =	shalt  }
0x85: {  	_ =	shalt  }
0x86: {  	_ =	shalt  }
0x87: {  	_ =	shalt  }
.Lfunc_end0:
.L_simem_size_0:
called_computation_lowered:
.L_overlay_start_0:
0x88: {  	s2 =	sld [smem:$0x3FD9]  }
0x89: {  	s3 =	sld [smem:$0x3FFE];
	_ =	sdelay $0x1  }
0x8a: {  	s1 =	srdreg.scid  }
0x8b: {  	s0 =	sand.u32 $0x1, s1  }
0x8c: {  	s17 =	sshll.u32 s0, $0xA;
	s2 =	sadd.s32 s3, s2  }
0x8d: {  	s2 =	sadd.s32 s2, s17  }
0x8e: {  	[smem:$0x3FC1] =	sst s2  }
0x8f: {  	_ = 	snop  }
0x90: {  	s18 =	sld [smem:$0x3FD0];
	(tm) =	ssettm $0x1  }
0x91: {  	s19 =	sld [smem:$0x3FFB];
	_ =	sdelay $0x3  }
0x92: {  	_ =	strace s19  }
0x93: {  	s2 =	sld [smem:$0x3FFC];
	_ =	sdelay $0x3  }
0x94: {  	_ =	strace s2  }
0x95: {  	s2 =	sld [smem:$0x3FFD];
	_ =	sdelay $0x3  }
0x96: {  	_ =	strace s2  }
0x97: {  	_ =	strace $0x8FFFFFFF  }
0x98: {  	s20 =	sld [smem:$0x3FDB];
	_ =	sdelay $0x1  }
0x99: {  	s4 =	simm.s32 $_scs_section_size  }
0x9a: {  	s5 =	simm.s32 $_size__tile_overlayer_lowered;
	s6 =	simm.s32 $_tile_overlayer_lowered  }
0x9b: {  	s7 =	simm.s32 $0x1BFF;
	s21 =	sshll.u32 s6, $0x1;
	s4 =	sadd.s32 s4, s20  }
0x9c: {  	s22 =	simm.s32 $0x0;
	s5 =	sshll.u32 s5, $0x1;
	s6 =	sadd.s32 s21, s4  }
0x9d: {  	[timem:s22], [sflag:s7] =	dma.local [hbm:s6], s5  }
0x9e: {  	_ =	swait.ge [sflag:s7], s5  }
0x9f: {  	s5 =	ssub.s32 $0x0, s5;
	[sflag:s7] =	ssyncset.done $0x0  }
0xa0: {  	[sflag:s7] =	ssyncadd.s32 s5;
	_ =	sdelay $0x1  }
0xa1: {  	s23 =	simm.s32 $0x1B8B  }
0xa2: {  	_ =	swait.ge [sflag:s23], $0x1  }
0xa3: {  	[sflag:s23] =	ssyncset.done $0x0  }
0xa4: {  	[sflag:s23] =	ssyncadd.s32 $0xFFFFFFFF  }
0xa5: {  	s5 =	sld [smem:$0x0]  }
0xa6: {  	s6 =	sand.u32 $0xFFFFFFFE, s1  }
0xa7: {  	p0 =	sne.s32 s1, s6  }
0xa8: {  	s6 =	sshll.u32 @p0 s6, $0xE  }
0xa9: {  	s6 =	sadd.s32 @p0 $0x11B8D, s6;
	s7 =	sshll.u32 @p0 s5, $0x11  }
0xaa: {  	s6 =	sor.u32 @p0 s7, s6  }
0xab: {  	[sflag:s6] =	ssyncadd.remote.s32 @p0 $0x1;
	_ =	sdelay $0x1  }
0xac: {  	s6 =	simm.s32 @p0 $0x1B8D  }
0xad: {  	_ =	swait.eq @p0 [sflag:s6], $0x1  }
0xae: {  	[sflag:s6] =	ssyncadd.s32 @p0 $0xFFFFFFFF  }
0xaf: {  	s7 =	sshll.u32 @!p0 s1, $0xE  }
0xb0: {  	s7 =	sor.u32 @!p0 $0x4000, s7;
	s6 =	simm.s32 @!p0 $0x1B8D  }
0xb1: {  	s5 =	sshll.u32 @!p0 s5, $0x11;
	s7 =	sadd.s32 @!p0 $0x11B8D, s7;
	_ =	swait.eq @!p0 [sflag:s6], $0x1  }
0xb2: {  	s5 =	sor.u32 @!p0 s5, s7;
	[sflag:s6] =	ssyncadd.s32 @!p0 $0xFFFFFFFF  }
0xb3: {  	s25 =	simm.s32 $0x1B8E;
	s24 =	sld [smem:$0x3FFE];
	[sflag:s5] =	ssyncadd.remote.s32 @!p0 $0x1  }
0xb4: {  	s26 =	simm.s32 $execute0_lowered;
	[smem:$0x3FD2] =	sst s25  }
0xb5: {  	s6 =	sshll.u32 s26, $0x1;
	_ =	strace $0x80000049;
	[dreg:$0x1] =	wrdreg $0xFFFFFFFF  }
0xb6: {  	s28 =	simm.s32 $_size_execute0_lowered;
	s4 =	sadd.s32 s4, s6;
	[dreg:$0x0] =	wrdreg $0x0  }
0xb7: {  	s6 =	sshll.u32 s28, $0x1;
	[dreg:$0x2] =	wrdreg s4  }
0xb8: {  	[dreg:$0x3] =	wrdreg s6  }
0xb9: {  	[dreg:$0x4] =	wrdreg $0xC0  }
0xba: {  	_ =	task [dreg:s22], $0x5FFFF  }
0xbb: {  	[dreg:$0x1] =	wrdreg $0xFFFFFFFF  }
0xbc: {  	[dreg:$0x0] =	wrdreg $0x60  }
0xbd: {  	[dreg:$0x2] =	wrdreg s24  }
0xbe: {  	[dreg:$0x3] =	wrdreg s18  }
0xbf: {  	[dreg:$0x4] =	wrdreg $0x9  }
0xc0: {  	_ =	task.clear_ibuf [dreg:s22], $0x5FFFF;
	_ =	strace $0x90000049  }
0xc1: {  	s29 =	simm.s32 $0x9;
	_ =	strace $0x8000004B  }
0xc2: {  	_ =	swait.ge [sflag:s29], $0x1  }
0xc3: {  	[sflag:s29] =	ssyncadd.s32 $0xFFFFFFFF  }
0xc4: {  	_ =	strace $0x9000004B  }
0xc5: {  	_ =	sfence  }
0xc6: {  	s30 =	sld [smem:$0x0];
	_ =	sdelay $0x2  }
0xc7: {  	s31 =	sshll.u32 s1, $0xD;
	s1 =	sshrl.u32 s1, $0x2  }
0xc8: {  	s4 =	sand.u32 $0x4000, s31;
	s1 =	sadd.s32 s1, s30  }
0xc9: {  	s0 =	sor.u32 s4, s0;
	s1 =	sshll.u32 s1, $0x11  }
0xca: {  	s0 =	sor.u32 s1, s0  }
0xcb: {  	s0 =	sadd.s32 $0x8F2B, s0  }
0xcc: {  	[sflag:s0] =	ssyncadd.remote.s32 $0x1  }
0xcd: {  	_ =	sfence.sel $0xFFFF  }
0xce: {  	[dreg:$0x0] =	wrdreg $0xFFFFFFFF;
	(pc) =	sbr.abs _section_cstart, $3  }
0xcf: {  	[dreg:$0x1] =	wrdreg $0xFFFFFFFF  }
0xd0: {  	_ =	task.clear_ibuf [dreg:s22], $0x2FFFF;
	_ =	strace $0x9FFFFFFF  }
0xd1: {  	(tm) =	ssettm $0x7FFFFFFF  }
tec
execute0_lowered:
.L_overlay_start_1:
0x0: {  	(tag) =	ssettag $0x1  }
0x1: {  	s0 =	rddreg [dreg:$0x0]  }
0x2: {  	s2 =	rddreg [dreg:$0x1];
	s3 =	srdreg.scid  }
0x3: {  	s1 =	stileid.u32;
	s5 =	sand.u32 $0x1, s3;
	s3 =	simm.s32 $0x0  }
0x4: {  	s11 =	simm.s32 $0xC00;
	s12 =	simm.s32 $0x1400;
	[smem:$0x7FF] =	sst s3  }
0x5: {  	s13 =	simm.s32 $0x1C00;
	_ =	strace $0x8000004A;
	[dreg:$0x5] =	wrdreg s11  }
0x6: {  	s14 =	simm.s32 $0x2400;
	s15 =	simm.s32 $0x2C00;
	[dreg:$0x6] =	wrdreg s12  }
0x7: {  	s16 =	simm.s32 $0x3400;
	s17 =	simm.s32 $0x3C00;
	[dreg:$0x7] =	wrdreg s13  }
0x8: {  	s18 =	simm.s32 $0x4400;
	s20 =	simm.s32 $0x4C00;
	[dreg:$0x8] =	wrdreg s14  }
0x9: {  	s21 =	simm.s32 $0x5400;
	s23 =	simm.s32 $0x5C00;
	[dreg:$0x9] =	wrdreg s15  }
0xa: {  	s24 =	simm.s32 $0x6400;
	s25 =	simm.s32 $0x6C00;
	[dreg:$0xa] =	wrdreg s16  }
0xb: {  	s26 =	simm.s32 $0x7400;
	s9 =	simm.s32 $0x3;
	[dreg:$0xb] =	wrdreg s17  }
0xc: {  	s31 =	simm.s32 $0x7C00;
	s10 =	simm.s32 $0x400;
	[dreg:$0xc] =	wrdreg s18  }
0xd: {  	s28 =	simm.s32 $0x1;
	s29 =	simm.s32 $0x2;
	[dreg:$0xd] =	wrdreg s20  }
0xe: {  	s30 =	simm.s32 $0x0;
	s4 =	sshll.u32 s1, $0x11;
	[dreg:$0xe] =	wrdreg s21  }
0xf: {  	s7 =	sshll.u32 s1, $0xB;
	s4 =	sadd.s32 s4, s0;
	[dreg:$0xf] =	wrdreg s23  }
0x10: {  	s6 =	sshll.u32 s5, $0x10;
	s8 =	sshll.u32 s5, $0xA;
	[dreg:$0x10] =	wrdreg s24  }
0x11: {  	s5 =	ssub.s32 $0x2, s5;
	s4 =	sadd.s32 s6, s4;
	[dreg:$0x11] =	wrdreg s25  }
0x12: {  	s7 =	sor.u32 s8, s7;
	s19 =	sshrl.u32 s5, $0x1;
	[dreg:$0x12] =	wrdreg s26  }
0x13: {  	[dreg:$0x13] =	wrdreg s31;
	s11 =	simm.s32 $0x8400;
	s12 =	simm.s32 $0x8C00  }
0x14: {  	s13 =	simm.s32 $0x9400;
	s14 =	simm.s32 $0x9C00;
	s15 =	simm.s32 $0xA400  }
0x15: {  	s16 =	simm.s32 $0xAC00;
	s17 =	simm.s32 $0xB400;
	s18 =	simm.s32 $0xBC00  }
0x16: {  	s20 =	simm.s32 $0xCC00;
	s21 =	simm.s32 $0xD400;
	s23 =	simm.s32 $0xE400  }
0x17: {  	s24 =	simm.s32 $0xEC00;
	s25 =	simm.s32 $0xF400;
	s26 =	simm.s32 $0xFC00  }
0x18: {  	s6 =	sadd.s32 $0x443E00, s4;
	s4 =	sadd.s32 $0x643E00, s4;
	s7 =	sshrl.u32 s7, $0x3  }
0x19: {  	s8 =	ssub.s32 s5, s19;
	s19 =	simm.s32 $0xC400;
	[dreg:$0x3] =	wrdreg s6  }
0x1a: {  	v2 =	vlaneseq.u32;
	[dreg:$0x4] =	wrdreg s4;
	s4 =	sadd.s32 $0x2E00, s0;
	s7 =	sadd.s32 s7, s0  }
0x1b: {  	vm0 =	vmmov $0xffff;
	v1 =	vshrl.u32 v2, $0x3;
	s6 =	sadd.s32 $0x2F00, s0;
	s8 =	smax.u32 s8, $0x1;
	s22 =	sadd.s32 $0x442E00, s7  }
0x1c: {  	v0 =	vand.u32 $0x7, v2;
	v2 =	vor.u32 $0x8, v2;
	v1 =	vmul.u32 $0x8, v1;
	s7 =	sadd.s32 $0x100, s2;
	[dreg:$0x14] =	wrdreg s22;
	s22 =	simm.s32 $0xDC00  }
.LBB2_1:
0x1d: {  	s0 =	rddreg [dreg:$0x14]  }
0x1e: {  	[tilespmem:s3], [sflag:$0x3] =	stream.linear.gather [hbm4b:s0+s3], $0x400, $0x38;
	[tilespmem:$0x10400] =	vst v63  }
0x1f: {  	_ =	swait.ge [sflag:s9], $0x400  }
0x20: {  	[sflag:s9] =	ssyncset.done $0x0  }
0x21: {  	s31 =	simm.s32 $0x20;
	s0 =	simm.s32 $0x0;
	[sflag:s9] =	ssyncadd.s32 $0xFFFFFC00  }
.LBB2_2:
0x22: {  	v3 =	vld [tilespmem:s31+$0xFFFFFFE0];
	_ =	sdelay $0x4  }
0x23: {  	v4 =	vshll.u32 v3, $0x2  }
0x24: {  	v3 =	vand.u32 $0x7, v3;
	v4 =	vand.u32 $0xFFFFFFE0, v4  }
0x25: {  	v3 =	vor.u32 v3, v4  }
0x26: {  	v4 =	vperm.xlane v3, v0;
	_ =	sdelay $0x1  }
0x27: {  	v4 =	vadd.s32 v1, v4;
	_ =	sdelay $0x1  }
0x28: {  	v3 =	vperm.xlane v3, v2;
	_ =	sdelay $0x1  }
0x29: {  	v3 =	vadd.s32 v1, v3  }
0x2a: {  	[tilespmem:s10], [sflag:$0x1] =	stream.indirect_vreg.gather [hbm4b:s4+s3], $0x80, v4, vm0, $0xb8;
	[tilespmem:$0x10400] =	vst v63  }
0x2b: {  	s1 =	rddreg [dreg:$0x5]  }
0x2c: {  	[tilespmem:s1], [sflag:$0x1] =	stream.indirect_vreg.gather [hbm4b:s6+s3], $0x80, v4, vm0, $0xb8;
	[tilespmem:$0x10400] =	vst v63  }
0x2d: {  	s5 =	rddreg [dreg:$0x6]  }
0x2e: {  	[tilespmem:s5], [sflag:$0x1] =	stream.indirect_vreg.gather [hbm4b:s4+s3], $0x80, v3, vm0, $0xb8;
	[tilespmem:$0x10400] =	vst v63  }
0x2f: {  	s1 =	rddreg [dreg:$0x7]  }
0x30: {  	[tilespmem:s1], [sflag:$0x1] =	stream.indirect_vreg.gather [hbm4b:s6+s3], $0x80, v3, vm0, $0xb8;
	[tilespmem:$0x10400] =	vst v63  }
0x31: {  	v3 =	vld [tilespmem:s31+$0xFFFFFFF0];
	_ =	sdelay $0x4  }
0x32: {  	v57 =	vshll.u32 v3, $0x2  }
0x33: {  	v3 =	vand.u32 $0x7, v3;
	v4 =	vand.u32 $0xFFFFFFE0, v57  }
0x34: {  	v3 =	vor.u32 v3, v4  }
0x35: {  	v4 =	vperm.xlane v3, v0;
	_ =	sdelay $0x1  }
0x36: {  	v4 =	vadd.s32 v1, v4;
	_ =	sdelay $0x1  }
0x37: {  	v3 =	vperm.xlane v3, v2;
	_ =	sdelay $0x1  }
0x38: {  	s1 =	rddreg [dreg:$0x8];
	v3 =	vadd.s32 v1, v3  }
0x39: {  	[tilespmem:s1], [sflag:$0x1] =	stream.indirect_vreg.gather [hbm4b:s4+s3], $0x80, v4, vm0, $0xb8;
	[tilespmem:$0x10400] =	vst v63  }
0x3a: {  	s5 =	rddreg [dreg:$0x9]  }
0x3b: {  	[tilespmem:s5], [sflag:$0x1] =	stream.indirect_vreg.gather [hbm4b:s6+s3], $0x80, v4, vm0, $0xb8;
	[tilespmem:$0x10400] =	vst v63  }
0x3c: {  	s1 =	rddreg [dreg:$0xa]  }
0x3d: {  	[tilespmem:s1], [sflag:$0x1] =	stream.indirect_vreg.gather [hbm4b:s4+s3], $0x80, v3, vm0, $0xb8;
	[tilespmem:$0x10400] =	vst v63  }
0x3e: {  	s5 =	rddreg [dreg:$0xb]  }
0x3f: {  	[tilespmem:s5], [sflag:$0x1] =	stream.indirect_vreg.gather [hbm4b:s6+s3], $0x80, v3, vm0, $0xb8;
	[tilespmem:$0x10400] =	vst v63  }
0x40: {  	v3 =	vld [tilespmem:s31+$0x0];
	_ =	sdelay $0x4  }
0x41: {  	v58 =	vshll.u32 v3, $0x2  }
0x42: {  	v3 =	vand.u32 $0x7, v3;
	v4 =	vand.u32 $0xFFFFFFE0, v58  }
0x43: {  	v3 =	vor.u32 v3, v4  }
0x44: {  	v4 =	vperm.xlane v3, v0;
	_ =	sdelay $0x1  }
0x45: {  	v4 =	vadd.s32 v1, v4;
	_ =	sdelay $0x1  }
0x46: {  	v3 =	vperm.xlane v3, v2;
	_ =	sdelay $0x1  }
0x47: {  	s1 =	rddreg [dreg:$0xc];
	v3 =	vadd.s32 v1, v3  }
0x48: {  	[tilespmem:s1], [sflag:$0x1] =	stream.indirect_vreg.gather [hbm4b:s4+s3], $0x80, v4, vm0, $0xb8;
	[tilespmem:$0x10400] =	vst v63  }
0x49: {  	s5 =	rddreg [dreg:$0xd]  }
0x4a: {  	[tilespmem:s5], [sflag:$0x1] =	stream.indirect_vreg.gather [hbm4b:s6+s3], $0x80, v4, vm0, $0xb8;
	[tilespmem:$0x10400] =	vst v63  }
0x4b: {  	s1 =	rddreg [dreg:$0xe]  }
0x4c: {  	[tilespmem:s1], [sflag:$0x1] =	stream.indirect_vreg.gather [hbm4b:s4+s3], $0x80, v3, vm0, $0xb8;
	[tilespmem:$0x10400] =	vst v63  }
0x4d: {  	s5 =	rddreg [dreg:$0xf]  }
0x4e: {  	[tilespmem:s5], [sflag:$0x1] =	stream.indirect_vreg.gather [hbm4b:s6+s3], $0x80, v3, vm0, $0xb8;
	[tilespmem:$0x10400] =	vst v63  }
0x4f: {  	v3 =	vld [tilespmem:s31+$0x10];
	_ =	sdelay $0x4  }
0x50: {  	v59 =	vshll.u32 v3, $0x2  }
0x51: {  	v3 =	vand.u32 $0x7, v3;
	v4 =	vand.u32 $0xFFFFFFE0, v59  }
0x52: {  	v3 =	vor.u32 v3, v4  }
0x53: {  	v4 =	vperm.xlane v3, v0;
	_ =	sdelay $0x1  }
0x54: {  	v4 =	vadd.s32 v1, v4;
	_ =	sdelay $0x1  }
0x55: {  	v3 =	vperm.xlane v3, v2;
	_ =	sdelay $0x1  }
0x56: {  	s1 =	rddreg [dreg:$0x10];
	v3 =	vadd.s32 v1, v3  }
0x57: {  	[tilespmem:s1], [sflag:$0x1] =	stream.indirect_vreg.gather [hbm4b:s4+s3], $0x80, v4, vm0, $0xb8;
	[tilespmem:$0x10400] =	vst v63  }
0x58: {  	s5 =	rddreg [dreg:$0x11]  }
0x59: {  	[tilespmem:s5], [sflag:$0x1] =	stream.indirect_vreg.gather [hbm4b:s6+s3], $0x80, v4, vm0, $0xb8;
	[tilespmem:$0x10400] =	vst v63  }
0x5a: {  	s1 =	rddreg [dreg:$0x12]  }
0x5b: {  	[tilespmem:s1], [sflag:$0x1] =	stream.indirect_vreg.gather [hbm4b:s4+s3], $0x80, v3, vm0, $0xb8;
	[tilespmem:$0x10400] =	vst v63  }
0x5c: {  	s5 =	rddreg [dreg:$0x13]  }
0x5d: {  	[tilespmem:s5], [sflag:$0x1] =	stream.indirect_vreg.gather [hbm4b:s6+s3], $0x80, v3, vm0, $0xb8;
	[tilespmem:$0x10400] =	vst v63  }
0x5e: {  	v3 =	vld [tilespmem:s31+$0xFFFFFFE0];
	_ =	sdelay $0x4  }
0x5f: {  	v60 =	vshll.u32 v3, $0x2  }
0x60: {  	v3 =	vand.u32 $0x7, v3;
	v4 =	vand.u32 $0xFFFFFFE0, v60  }
0x61: {  	v3 =	vor.u32 v3, v4  }
0x62: {  	v4 =	vperm.xlane v3, v0;
	_ =	sdelay $0x1  }
0x63: {  	v4 =	vadd.s32 v1, v4;
	_ =	sdelay $0x1  }
0x64: {  	v3 =	vperm.xlane v3, v2;
	_ =	sdelay $0x1  }
0x65: {  	v3 =	vadd.s32 v1, v3  }
0x66: {  	[tilespmem:s11], [sflag:$0x2] =	stream.indirect_vreg.gather [hbm4b:s2+s3], $0x80, v4, vm0, $0xb8;
	[tilespmem:$0x10400] =	vst v63  }
0x67: {  	_ = 	snop  }
0x68: {  	[tilespmem:s12], [sflag:$0x2] =	stream.indirect_vreg.gather [hbm4b:s7+s3], $0x80, v4, vm0, $0xb8;
	[tilespmem:$0x10400] =	vst v63  }
0x69: {  	_ = 	snop  }
0x6a: {  	[tilespmem:s13], [sflag:$0x2] =	stream.indirect_vreg.gather [hbm4b:s2+s3], $0x80, v3, vm0, $0xb8;
	[tilespmem:$0x10400] =	vst v63  }
0x6b: {  	_ = 	snop  }
0x6c: {  	[tilespmem:s14], [sflag:$0x2] =	stream.indirect_vreg.gather [hbm4b:s7+s3], $0x80, v3, vm0, $0xb8;
	[tilespmem:$0x10400] =	vst v63  }
0x6d: {  	v3 =	vld [tilespmem:s31+$0xFFFFFFF0];
	_ =	sdelay $0x4  }
0x6e: {  	v61 =	vshll.u32 v3, $0x2  }
0x6f: {  	v3 =	vand.u32 $0x7, v3;
	v4 =	vand.u32 $0xFFFFFFE0, v61  }
0x70: {  	v3 =	vor.u32 v3, v4  }
0x71: {  	v4 =	vperm.xlane v3, v0;
	_ =	sdelay $0x1  }
0x72: {  	v4 =	vadd.s32 v1, v4;
	_ =	sdelay $0x1  }
0x73: {  	v3 =	vperm.xlane v3, v2;
	_ =	sdelay $0x1  }
0x74: {  	v3 =	vadd.s32 v1, v3  }
0x75: {  	[tilespmem:s15], [sflag:$0x2] =	stream.indirect_vreg.gather [hbm4b:s2+s3], $0x80, v4, vm0, $0xb8;
	[tilespmem:$0x10400] =	vst v63  }
0x76: {  	_ = 	snop  }
0x77: {  	[tilespmem:s16], [sflag:$0x2] =	stream.indirect_vreg.gather [hbm4b:s7+s3], $0x80, v4, vm0, $0xb8;
	[tilespmem:$0x10400] =	vst v63  }
0x78: {  	_ = 	snop  }
0x79: {  	[tilespmem:s17], [sflag:$0x2] =	stream.indirect_vreg.gather [hbm4b:s2+s3], $0x80, v3, vm0, $0xb8;
	[tilespmem:$0x10400] =	vst v63  }
0x7a: {  	_ = 	snop  }
0x7b: {  	[tilespmem:s18], [sflag:$0x2] =	stream.indirect_vreg.gather [hbm4b:s7+s3], $0x80, v3, vm0, $0xb8;
	[tilespmem:$0x10400] =	vst v63  }
0x7c: {  	v3 =	vld [tilespmem:s31+$0x0];
	_ =	sdelay $0x4  }
0x7d: {  	v62 =	vshll.u32 v3, $0x2  }
0x7e: {  	v3 =	vand.u32 $0x7, v3;
	v4 =	vand.u32 $0xFFFFFFE0, v62  }
0x7f: {  	v3 =	vor.u32 v3, v4  }
0x80: {  	v4 =	vperm.xlane v3, v0;
	_ =	sdelay $0x1  }
0x81: {  	v4 =	vadd.s32 v1, v4;
	_ =	sdelay $0x1  }
0x82: {  	v3 =	vperm.xlane v3, v2;
	_ =	sdelay $0x1  }
0x83: {  	v3 =	vadd.s32 v1, v3  }
0x84: {  	[tilespmem:s19], [sflag:$0x2] =	stream.indirect_vreg.gather [hbm4b:s2+s3], $0x80, v4, vm0, $0xb8;
	[tilespmem:$0x10400] =	vst v63  }
0x85: {  	_ = 	snop  }
0x86: {  	[tilespmem:s20], [sflag:$0x2] =	stream.indirect_vreg.gather [hbm4b:s7+s3], $0x80, v4, vm0, $0xb8;
	[tilespmem:$0x10400] =	vst v63  }
0x87: {  	_ = 	snop  }
0x88: {  	[tilespmem:s21], [sflag:$0x2] =	stream.indirect_vreg.gather [hbm4b:s2+s3], $0x80, v3, vm0, $0xb8;
	[tilespmem:$0x10400] =	vst v63  }
0x89: {  	_ = 	snop  }
0x8a: {  	[tilespmem:s22], [sflag:$0x2] =	stream.indirect_vreg.gather [hbm4b:s7+s3], $0x80, v3, vm0, $0xb8;
	[tilespmem:$0x10400] =	vst v63  }
0x8b: {  	v3 =	vld [tilespmem:s31+$0x10];
	_ =	sdelay $0x4  }
0x8c: {  	v63 =	vshll.u32 v3, $0x2  }
0x8d: {  	v3 =	vand.u32 $0x7, v3;
	v4 =	vand.u32 $0xFFFFFFE0, v63  }
0x8e: {  	v3 =	vor.u32 v3, v4  }
0x8f: {  	v4 =	vperm.xlane v3, v0;
	_ =	sdelay $0x1  }
0x90: {  	v4 =	vadd.s32 v1, v4;
	_ =	sdelay $0x1  }
0x91: {  	v3 =	vperm.xlane v3, v2;
	_ =	sdelay $0x1  }
0x92: {  	v3 =	vadd.s32 v1, v3  }
0x93: {  	[tilespmem:s23], [sflag:$0x2] =	stream.indirect_vreg.gather [hbm4b:s2+s3], $0x80, v4, vm0, $0xb8;
	[tilespmem:$0x10400] =	vst v63  }
0x94: {  	_ = 	snop  }
0x95: {  	[tilespmem:s24], [sflag:$0x2] =	stream.indirect_vreg.gather [hbm4b:s7+s3], $0x80, v4, vm0, $0xb8;
	[tilespmem:$0x10400] =	vst v63  }
0x96: {  	_ = 	snop  }
0x97: {  	[tilespmem:s25], [sflag:$0x2] =	stream.indirect_vreg.gather [hbm4b:s2+s3], $0x80, v3, vm0, $0xb8;
	[tilespmem:$0x10400] =	vst v63  }
0x98: {  	_ = 	snop  }
0x99: {  	[tilespmem:s26], [sflag:$0x2] =	stream.indirect_vreg.gather [hbm4b:s7+s3], $0x80, v3, vm0, $0xb8;
	[tilespmem:$0x10400] =	vst v63  }
0x9a: {  	_ =	swait.ge [sflag:s28], $0x8000  }
0x9b: {  	[sflag:s28] =	ssyncset.done $0x0  }
0x9c: {  	[sflag:s28] =	ssyncadd.s32 $0xFFFF8000  }
0x9d: {  	_ =	swait.ge [sflag:s29], $0x8000  }
0x9e: {  	s5 =	rddreg [dreg:$0x3];
	[sflag:s29] =	ssyncset.done $0x0  }
0x9f: {  	[sflag:s29] =	ssyncadd.s32 $0xFFFF8000;
	s1 =	sadd.s32 s0, s5  }
0xa0: {  	[hbm4b:s1+s3] =	stream.linear.scatter [tilespmem:s10], [sflag:$0x3], $0x8000, $0x38;
	[tilespmem:$0x10400] =	vst v63  }
0xa1: {  	_ =	swait.ge [sflag:s9], $0x8000  }
0xa2: {  	p0 =	sne.s32 s0, $0xF000;
	s5 =	rddreg [dreg:$0x4];
	[sflag:s9] =	ssyncset.done $0x0  }
.Ltmp0:
0xa3: {  	[sflag:s9] =	ssyncadd.s32 $0xFFFF8000;
	s1 =	sadd.s32 s0, s5;
	(pc) =	sbr.rel @p0 .LBB2_2-.Ltmp0, $4  }
0xa4: {  	[hbm4b:s1+s3] =	stream.linear.scatter [tilespmem:s11], [sflag:$0x3], $0x8000, $0x38;
	[tilespmem:$0x10400] =	vst v63  }
0xa5: {  	_ =	swait.ge [sflag:s9], $0x8000  }
0xa6: {  	[sflag:s9] =	ssyncset.done $0x0  }
0xa7: {  	s31 =	sadd.s32 $0x40, s31;
	s0 =	sadd.s32 $0x1000, s0;
	[sflag:s9] =	ssyncadd.s32 $0xFFFF8000  }
0xa8: {  	s30 =	sadd.s32 $0x1, s30  }
0xa9: {  	p0 =	sne.s32 s30, s8  }
.Ltmp1:
0xaa: {  	_ = 	snop;
	(pc) =	sbr.rel @p0 .LBB2_1-.Ltmp1, $1  }
0xab: {  	_ =	sdelay $0x3  }
0xac: {  	_ =	sfence.sel $0x180000  }
0xad: {  	[bflag:$0x0] =	sbarrier.arrive $0xFFFF  }
0xae: {  	_ =	strace $0x9000004A  }
0xaf: {  	s0 =	stileid.u32;
	[bflag:$0x2] =	sbarrier.arrive $0xFFFF  }
0xb0: {  	p0 =	sne.s32 s0, $0x0;
	s0 =	rddreg [dreg:$0x2]  }
0xb1: {  	s0 =	sadd.s32 @!p0 $0x100000, s0  }
0xb2: {  	[sflag:s0] =	ssyncadd.tile.s32 @!p0 $0x1;
	_ =	shalt  }
.Lfunc_end2:
_tile_overlayer_lowered:
.L_overlay_start_2:
0xb3: {  	(tag) =	ssettag $0x2  }
0xb4: {  	s0 =	rddreg [dreg:$0x0];
	s2 =	stileid.u32  }
0xb5: {  	s1 =	rddreg [dreg:$0x1];
	p0 =	sne.s32 s2, $0x0  }
0xb6: {  	s3 =	rddreg [dreg:$0x2];
	[bflag:$0x3] =	sbarrier.arrive $0xFFFF;
	s2 =	simm.s32 @!p0 $0x1C03  }
0xb7: {  	[timem:s3], [sflag:s2] =	dma.local @!p0 [hbm:s0], s1  }
0xb8: {  	s0 =	simm.s32 @!p0 $0x3  }
0xb9: {  	_ =	swait.ge @!p0 [sflag:s0], s1  }
0xba: {  	s1 =	ssub.s32 @!p0 $0x0, s1;
	[sflag:s0] =	ssyncset.done @!p0 $0x0  }
0xbb: {  	[sflag:s0] =	ssyncadd.s32 @!p0 s1  }
0xbc: {  	[bflag:$0x3] =	sbarrier.arrive $0xFFFF  }
0xbd: {  	_ =	shalt  }

</sc_bundles>
